<compile_context>
chip_gen: v7x
topology: tpu7x:2x2x1
jax: 0.10.2.dev20260603
libtpu: 0.0.44.dev20260713+nightly
codegen_flags: <defaults>
</compile_context>

<pallas_src>
import jax
import jax.numpy as jnp
from jax import lax
from jax.experimental import pallas as pl
from jax.experimental.pallas import tpu as pltpu
from jax.experimental.pallas import tpu_sc as plsc

_B, _S, _H = 4, 2048, 4096
_NHS = 2
_HH = _H // _NHS
_NC, _NS = 2, 16
_NW = _NC * _NS
_NPG = _NW // _NHS
_PW = _S // _NPG
_W = 4
_CR = _B * _W
_NPC = _PW // _W
_LANES = 16
_UNROLL = 8


def _add_pos4(rows, pos):
    @pl.loop(0, _W)
    def _(r):
        @pl.loop(0, _HH, step=_LANES * _UNROLL)
        def _(c):
            vals = [pos[r, pl.ds(c + _LANES * u, _LANES)] for u in range(_UNROLL)]
            for u in range(_UNROLL):
                for b in range(_B):
                    plsc.addupdate(rows.at[b * _W + r, pl.ds(c + _LANES * u, _LANES)],
                                   vals[u])


def _body(x_hbm, tok_hbm, pos_hbm, out_hbm,
          idx_v, pos0, pos1, rows0, rows1,
          gsem0, gsem1,
          sa0, sb0, sc0, sd0, sa1, sb1, sc1, sd1,
          psem0, psem1):
    wid = lax.axis_index("c") * _NS + lax.axis_index("s")
    h = wid & (_NHS - 1)
    pg = wid >> (_NHS // 2)
    p0 = pg * _PW
    c0 = h * _HH
    rows = (rows0, rows1)
    gsem = (gsem0, gsem1)
    ssem = ((sa0, sb0, sc0, sd0), (sa1, sb1, sc1, sd1))
    pos = (pos0, pos1)
    psem = (psem0, psem1)

    def p_desc(pc, pd):
        return pltpu.make_async_copy(
            pos_hbm.at[pl.ds(p0 + pc * _W, _W), pl.ds(c0, _HH)],
            pos[pd], psem[pd])

    p_desc(0, 0).start()
    p_desc(1, 1).start()

    pltpu.sync_copy(x_hbm.at[pl.ds(pg * _NPC * _CR, _NPC * _CR)], idx_v)

    def g_desc(pc, d):
        return pltpu.make_async_copy(
            tok_hbm.at[idx_v.at[pl.ds(pc * _CR, _CR)], pl.ds(c0, _HH)],
            rows[d], gsem[d])

    def s_desc(pc, b, d):
        return pltpu.make_async_copy(
            rows[d].at[pl.ds(b * _W, _W), :],
            out_hbm.at[pl.ds(b * _S + p0 + pc * _W, _W), pl.ds(c0, _HH)],
            ssem[d][b])

    def chunk(pc, d, guard_drain, guard_gather):
        def drain():
            for b in range(_B):
                s_desc(pc - 1, b, d ^ 1).wait()

        def prefetch():
            g_desc(pc + 1, d ^ 1).start()

        if guard_drain:
            pl.when(pc > 0)(drain)
        else:
            drain()
        if guard_gather:
            pl.when(pc + 1 < _NPC)(prefetch)
        else:
            prefetch()
        g_desc(pc, d).wait()
        p_desc(pc, d).wait()
        _add_pos4(rows[d], pos[d])
        for b in range(_B):
            s_desc(pc, b, d).start()

    g_desc(0, 0).start()

    @pl.loop(0, _NPC, step=2)
    def _(pc):
        chunk(pc, 0, True, False)

        @pl.when(pc + 2 < _NPC)
        def _():
            p_desc(pc + 2, 0).start()
        chunk(pc + 1, 1, False, True)

        @pl.when(pc + 3 < _NPC)
        def _():
            p_desc(pc + 3, 1).start()

    for b in range(_B):
        s_desc(_NPC - 1, b, 1).wait()


_emb_call = pl.kernel(
    _body,
    out_type=jax.ShapeDtypeStruct((_B * _S, _H), jnp.float32),
    mesh=plsc.VectorSubcoreMesh(core_axis_name="c", subcore_axis_name="s"),
    scratch_types=[
        pltpu.VMEM((_NPC * _CR,), jnp.int32),
        pltpu.VMEM((_W, _HH), jnp.float32),
        pltpu.VMEM((_W, _HH), jnp.float32),
        pltpu.VMEM((_CR, _HH), jnp.float32),
        pltpu.VMEM((_CR, _HH), jnp.float32),
        pltpu.SemaphoreType.DMA,
        pltpu.SemaphoreType.DMA,
        pltpu.SemaphoreType.DMA,
        pltpu.SemaphoreType.DMA,
        pltpu.SemaphoreType.DMA,
        pltpu.SemaphoreType.DMA,
        pltpu.SemaphoreType.DMA,
        pltpu.SemaphoreType.DMA,
        pltpu.SemaphoreType.DMA,
        pltpu.SemaphoreType.DMA,
        pltpu.SemaphoreType.DMA,
        pltpu.SemaphoreType.DMA,
    ],
)


@jax.jit
def _emb(x_t, tok_emb, pos_emb):
    return _emb_call(x_t, tok_emb, pos_emb)


def kernel(x, tok_emb, pos_emb):
    x_t = (x.astype(jnp.int32)
           .reshape(_B, _S // _W, _W)
           .transpose(1, 0, 2)
           .reshape(-1))
    out = _emb(x_t, tok_emb, pos_emb)
    return out.reshape(_B, _S, _H)

# --- scband reference (transcript-rebuilt; emitter-appended) ---
"""Pipeline reference for scband-gptembedding-2499670966565 (READ-ONLY COPY).

The authoritative reference and input builder live on the scoring server;
editing this copy changes nothing except your own understanding.
"""

import jax, jax.numpy as jnp
import numpy as np

VOCAB = 100000
MAX_SEQ = 2048
HIDDEN = 4096
B = 4
S = 2048

def setup_inputs(seed: int = 0) -> dict:
    key = jax.random.key(seed)
    k1, k2, k3 = jax.random.split(key, 3)
    x = jax.random.randint(k1, (B, S), 0, VOCAB, dtype=jnp.int64 if jax.config.jax_enable_x64 else jnp.int32)
    tok_emb = jax.random.normal(k2, (VOCAB, HIDDEN), dtype=jnp.float32) * 0.02
    pos_emb = jax.random.normal(k3, (MAX_SEQ, HIDDEN), dtype=jnp.float32) * 0.02
    return {"x": x, "tok_emb": tok_emb, "pos_emb": pos_emb}

def reference(x, tok_emb, pos_emb):
    # x: int[B, S]; token embedding gather + position embedding broadcast-add
    positions = jnp.arange(x.shape[1])[None, :]  # (1, S)
    tok = jnp.take(tok_emb, x, axis=0)           # (B, S, H)
    pos = jnp.take(pos_emb, positions, axis=0)   # (1, S, H)
    return tok + pos

if __name__ == "__main__":
    import jax
    _d = setup_inputs()
    print(jax.jit(kernel)(*tuple(_d.values())))

</pallas_src>

<mosaic_0001>
#map = affine_map<(d0, d1) -> (0)>
#map1 = affine_map<(d0, d1) -> (0, 0)>
module attributes {stable_mosaic.version = 14 : i64} {
  func.func @_body(%arg0: i32, %arg1: i32, %arg2: memref<8192xi32, #tpu.memory_space<hbm>>, %arg3: memref<100000x4096xf32, #tpu.memory_space<hbm>>, %arg4: memref<2048x4096xf32, #tpu.memory_space<hbm>>, %arg5: memref<8192x4096xf32, #tpu.memory_space<hbm>>, %arg6: memref<512xi32, #tpu.memory_space<vmem>>, %arg7: memref<4x2048xf32, #tpu.memory_space<vmem>>, %arg8: memref<4x2048xf32, #tpu.memory_space<vmem>>, %arg9: memref<16x2048xf32, #tpu.memory_space<vmem>>, %arg10: memref<16x2048xf32, #tpu.memory_space<vmem>>, %arg11: memref<!tpu.dma_semaphore, #tpu.memory_space<semaphore_mem>>, %arg12: memref<!tpu.dma_semaphore, #tpu.memory_space<semaphore_mem>>, %arg13: memref<!tpu.dma_semaphore, #tpu.memory_space<semaphore_mem>>, %arg14: memref<!tpu.dma_semaphore, #tpu.memory_space<semaphore_mem>>, %arg15: memref<!tpu.dma_semaphore, #tpu.memory_space<semaphore_mem>>, %arg16: memref<!tpu.dma_semaphore, #tpu.memory_space<semaphore_mem>>, %arg17: memref<!tpu.dma_semaphore, #tpu.memory_space<semaphore_mem>>, %arg18: memref<!tpu.dma_semaphore, #tpu.memory_space<semaphore_mem>>, %arg19: memref<!tpu.dma_semaphore, #tpu.memory_space<semaphore_mem>>, %arg20: memref<!tpu.dma_semaphore, #tpu.memory_space<semaphore_mem>>, %arg21: memref<!tpu.dma_semaphore, #tpu.memory_space<semaphore_mem>>, %arg22: memref<!tpu.dma_semaphore, #tpu.memory_space<semaphore_mem>>) attributes {dimension_semantics = [#tpu.dimension_semantics<core_parallel>, #tpu.dimension_semantics<subcore_parallel>], iteration_bounds = array<i64: 2, 16>, scalar_prefetch = 0 : i64, scratch_operands = 17 : i64, tpu.core_type = #tpu.core_type<sc_vector_subcore>, window_params = [{transform_indices = #map}, {transform_indices = #map1}, {transform_indices = #map1}, {transform_indices = #map1}]} {
    %mul3A = arith.constant 16 : i32
    %mul3A_0 = arith.muli %arg0, %mul3A : i32
    %add3A = arith.addi %mul3A_0, %arg1 : i32
    %and3A = arith.constant 1 : i32
    %and3A_1 = arith.andi %add3A, %and3A : i32
    %shift_right_arithmetic3A = arith.constant 1 : i32
    %shift_right_arithmetic3A_2 = arith.shrsi %add3A, %shift_right_arithmetic3A : i32
    %mul3A_3 = arith.constant 128 : i32
    %mul3A_4 = arith.muli %shift_right_arithmetic3A_2, %mul3A_3 : i32
    %mul3A_5 = arith.constant 2048 : i32
    %mul3A_6 = arith.muli %and3A_1, %mul3A_5 : i32
    %add3A_7 = arith.constant 0 : i32
    %add3A_8 = arith.addi %mul3A_4, %add3A_7 : i32
    %dma_start3A = tpu.memref_slice %arg4[%add3A_8, %mul3A_6] : memref<2048x4096xf32, #tpu.memory_space<hbm>> -> memref<4x2048xf32, #tpu.memory_space<hbm>>
    %dma_start3A_9 = tpu.memref_slice %arg4[%add3A_8, %mul3A_6] : memref<2048x4096xf32, #tpu.memory_space<hbm>> -> memref<4x2048xf32, #tpu.memory_space<hbm>>
    tpu.enqueue_dma source(%dma_start3A_9 : memref<4x2048xf32, #tpu.memory_space<hbm>>) target(%arg7 : memref<4x2048xf32, #tpu.memory_space<vmem>>) target_semaphore(%arg21 : memref<!tpu.dma_semaphore, #tpu.memory_space<semaphore_mem>>)
    %add3A_10 = arith.constant 4 : i32
    %add3A_11 = arith.addi %mul3A_4, %add3A_10 : i32
    %dma_start3A_12 = tpu.memref_slice %arg4[%add3A_11, %mul3A_6] : memref<2048x4096xf32, #tpu.memory_space<hbm>> -> memref<4x2048xf32, #tpu.memory_space<hbm>>
    %dma_start3A_13 = tpu.memref_slice %arg4[%add3A_11, %mul3A_6] : memref<2048x4096xf32, #tpu.memory_space<hbm>> -> memref<4x2048xf32, #tpu.memory_space<hbm>>
    tpu.enqueue_dma source(%dma_start3A_13 : memref<4x2048xf32, #tpu.memory_space<hbm>>) target(%arg8 : memref<4x2048xf32, #tpu.memory_space<vmem>>) target_semaphore(%arg22 : memref<!tpu.dma_semaphore, #tpu.memory_space<semaphore_mem>>)
    %mul3A_14 = arith.constant 32 : i32
    %mul3A_15 = arith.muli %shift_right_arithmetic3A_2, %mul3A_14 : i32
    %mul3A_16 = arith.constant 16 : i32
    %mul3A_17 = arith.muli %mul3A_15, %mul3A_16 : i32
    "tpu.region"() ({
      %run_scoped3A = tpu.sem_alloc : memref<!tpu.dma_semaphore, #tpu.memory_space<semaphore_mem>>
      %dma_start3A_73 = tpu.memref_slice %arg2[%mul3A_17] : memref<8192xi32, #tpu.memory_space<hbm>> -> memref<512xi32, #tpu.memory_space<hbm>>
      %dma_start3A_74 = tpu.memref_slice %arg2[%mul3A_17] : memref<8192xi32, #tpu.memory_space<hbm>> -> memref<512xi32, #tpu.memory_space<hbm>>
      tpu.enqueue_dma source(%dma_start3A_74 : memref<512xi32, #tpu.memory_space<hbm>>) target(%arg6 : memref<512xi32, #tpu.memory_space<vmem>>) target_semaphore(%run_scoped3A : memref<!tpu.dma_semaphore, #tpu.memory_space<semaphore_mem>>)
      %dma_wait3A_75 = tpu.memref_slice %arg2[%mul3A_17] : memref<8192xi32, #tpu.memory_space<hbm>> -> memref<512xi32, #tpu.memory_space<hbm>>
      %dma_wait3A_76 = tpu.memref_slice %arg2[%mul3A_17] : memref<8192xi32, #tpu.memory_space<hbm>> -> memref<512xi32, #tpu.memory_space<hbm>>
      tpu.wait_dma2 semaphore(%run_scoped3A : memref<!tpu.dma_semaphore, #tpu.memory_space<semaphore_mem>>) src(%dma_wait3A_76 : memref<512xi32, #tpu.memory_space<hbm>>) dst(%arg6 : memref<512xi32, #tpu.memory_space<vmem>>)
      tpu.yield
    }) : () -> ()
    %dma_start3A_18 = arith.constant 0 : i32
    %dma_start3A_19 = tpu.memref_slice %arg6[%dma_start3A_18] : memref<512xi32, #tpu.memory_space<vmem>> -> memref<16xi32, #tpu.memory_space<vmem>>
    %dma_start3A_20 = arith.constant 0 : i32
    %dma_start3A_21 = tpu.memref_slice %arg3[%dma_start3A_20, %mul3A_6] : memref<100000x4096xf32, #tpu.memory_space<hbm>> -> memref<100000x2048xf32, #tpu.memory_space<hbm>>
    tpu.enqueue_indirect_dma source(%dma_start3A_21 : memref<100000x2048xf32, #tpu.memory_space<hbm>>) target(%arg9 : memref<16x2048xf32, #tpu.memory_space<vmem>>) offsets(%dma_start3A_19 : memref<16xi32, #tpu.memory_space<vmem>>) semaphore(%arg11 : memref<!tpu.dma_semaphore, #tpu.memory_space<semaphore_mem>>)
    %scan3A = arith.constant 0 : i32
    %scan3A_22 = arith.constant 16 : i32
    %scan3A_23 = arith.addi %scan3A, %scan3A_22 : i32
    %scan3A_24 = arith.constant 1 : i32
    scf.for %scan3A_73 = %scan3A to %scan3A_23 step %scan3A_24  : i32 {
      %mul3A_74 = arith.constant 2 : i32
      %mul3A_75 = arith.muli %scan3A_73, %mul3A_74 : i32
      %add3A_76 = arith.constant 0 : i32
      %add3A_77 = arith.addi %add3A_76, %mul3A_75 : i32
      %gt3A = arith.constant 0 : i32
      %gt3A_78 = arith.cmpi sgt, %add3A_77, %gt3A : i32
      %convert_element_type3A = arith.extui %gt3A_78 : i1 to i32
      %cond3A = arith.constant 0 : i32
      %cond3A_79 = arith.cmpi ne, %convert_element_type3A, %cond3A : i32
      scf.if %cond3A_79 {
        %sub3A_302 = arith.constant 1 : i32
        %sub3A_303 = arith.subi %add3A_77, %sub3A_302 : i32
        %add3A_304 = arith.constant 0 : i32
        %add3A_305 = arith.addi %add3A_304, %mul3A_4 : i32
        %mul3A_306 = arith.constant 4 : i32
        %mul3A_307 = arith.muli %sub3A_303, %mul3A_306 : i32
        %add3A_308 = arith.addi %add3A_305, %mul3A_307 : i32
        %dma_wait3A_309 = arith.constant 0 : i32
        %dma_wait3A_310 = arith.constant 0 : i32
        %dma_wait3A_311 = tpu.memref_slice %arg10[%dma_wait3A_309, %dma_wait3A_310] : memref<16x2048xf32, #tpu.memory_space<vmem>> -> memref<4x2048xf32, #tpu.memory_space<vmem>>
        %dma_wait3A_312 = tpu.memref_slice %arg5[%add3A_308, %mul3A_6] : memref<8192x4096xf32, #tpu.memory_space<hbm>> -> memref<4x2048xf32, #tpu.memory_space<hbm>>
        %dma_wait3A_313 = tpu.memref_slice %arg5[%add3A_308, %mul3A_6] : memref<8192x4096xf32, #tpu.memory_space<hbm>> -> memref<4x2048xf32, #tpu.memory_space<hbm>>
        %dma_wait3A_314 = arith.constant 0 : i32
        %dma_wait3A_315 = arith.constant 0 : i32
        %dma_wait3A_316 = tpu.memref_slice %arg10[%dma_wait3A_314, %dma_wait3A_315] : memref<16x2048xf32, #tpu.memory_space<vmem>> -> memref<4x2048xf32, #tpu.memory_space<vmem>>
        tpu.wait_dma2 semaphore(%arg17 : memref<!tpu.dma_semaphore, #tpu.memory_space<semaphore_mem>>) src(%dma_wait3A_316 : memref<4x2048xf32, #tpu.memory_space<vmem>>) dst(%dma_wait3A_313 : memref<4x2048xf32, #tpu.memory_space<hbm>>)
        %sub3A_317 = arith.constant 1 : i32
        %sub3A_318 = arith.subi %add3A_77, %sub3A_317 : i32
        %add3A_319 = arith.constant 2048 : i32
        %add3A_320 = arith.addi %add3A_319, %mul3A_4 : i32
        %mul3A_321 = arith.constant 4 : i32
        %mul3A_322 = arith.muli %sub3A_318, %mul3A_321 : i32
        %add3A_323 = arith.addi %add3A_320, %mul3A_322 : i32
        %dma_wait3A_324 = arith.constant 4 : i32
        %dma_wait3A_325 = arith.constant 0 : i32
        %dma_wait3A_326 = tpu.memref_slice %arg10[%dma_wait3A_324, %dma_wait3A_325] : memref<16x2048xf32, #tpu.memory_space<vmem>> -> memref<4x2048xf32, #tpu.memory_space<vmem>>
        %dma_wait3A_327 = tpu.memref_slice %arg5[%add3A_323, %mul3A_6] : memref<8192x4096xf32, #tpu.memory_space<hbm>> -> memref<4x2048xf32, #tpu.memory_space<hbm>>
        %dma_wait3A_328 = tpu.memref_slice %arg5[%add3A_323, %mul3A_6] : memref<8192x4096xf32, #tpu.memory_space<hbm>> -> memref<4x2048xf32, #tpu.memory_space<hbm>>
        %dma_wait3A_329 = arith.constant 4 : i32
        %dma_wait3A_330 = arith.constant 0 : i32
        %dma_wait3A_331 = tpu.memref_slice %arg10[%dma_wait3A_329, %dma_wait3A_330] : memref<16x2048xf32, #tpu.memory_space<vmem>> -> memref<4x2048xf32, #tpu.memory_space<vmem>>
        tpu.wait_dma2 semaphore(%arg18 : memref<!tpu.dma_semaphore, #tpu.memory_space<semaphore_mem>>) src(%dma_wait3A_331 : memref<4x2048xf32, #tpu.memory_space<vmem>>) dst(%dma_wait3A_328 : memref<4x2048xf32, #tpu.memory_space<hbm>>)
        %sub3A_332 = arith.constant 1 : i32
        %sub3A_333 = arith.subi %add3A_77, %sub3A_332 : i32
        %add3A_334 = arith.constant 4096 : i32
        %add3A_335 = arith.addi %add3A_334, %mul3A_4 : i32
        %mul3A_336 = arith.constant 4 : i32
        %mul3A_337 = arith.muli %sub3A_333, %mul3A_336 : i32
        %add3A_338 = arith.addi %add3A_335, %mul3A_337 : i32
        %dma_wait3A_339 = arith.constant 8 : i32
        %dma_wait3A_340 = arith.constant 0 : i32
        %dma_wait3A_341 = tpu.memref_slice %arg10[%dma_wait3A_339, %dma_wait3A_340] : memref<16x2048xf32, #tpu.memory_space<vmem>> -> memref<4x2048xf32, #tpu.memory_space<vmem>>
        %dma_wait3A_342 = tpu.memref_slice %arg5[%add3A_338, %mul3A_6] : memref<8192x4096xf32, #tpu.memory_space<hbm>> -> memref<4x2048xf32, #tpu.memory_space<hbm>>
        %dma_wait3A_343 = tpu.memref_slice %arg5[%add3A_338, %mul3A_6] : memref<8192x4096xf32, #tpu.memory_space<hbm>> -> memref<4x2048xf32, #tpu.memory_space<hbm>>
        %dma_wait3A_344 = arith.constant 8 : i32
        %dma_wait3A_345 = arith.constant 0 : i32
        %dma_wait3A_346 = tpu.memref_slice %arg10[%dma_wait3A_344, %dma_wait3A_345] : memref<16x2048xf32, #tpu.memory_space<vmem>> -> memref<4x2048xf32, #tpu.memory_space<vmem>>
        tpu.wait_dma2 semaphore(%arg19 : memref<!tpu.dma_semaphore, #tpu.memory_space<semaphore_mem>>) src(%dma_wait3A_346 : memref<4x2048xf32, #tpu.memory_space<vmem>>) dst(%dma_wait3A_343 : memref<4x2048xf32, #tpu.memory_space<hbm>>)
        %sub3A_347 = arith.constant 1 : i32
        %sub3A_348 = arith.subi %add3A_77, %sub3A_347 : i32
        %add3A_349 = arith.constant 6144 : i32
        %add3A_350 = arith.addi %add3A_349, %mul3A_4 : i32
        %mul3A_351 = arith.constant 4 : i32
        %mul3A_352 = arith.muli %sub3A_348, %mul3A_351 : i32
        %add3A_353 = arith.addi %add3A_350, %mul3A_352 : i32
        %dma_wait3A_354 = arith.constant 12 : i32
        %dma_wait3A_355 = arith.constant 0 : i32
        %dma_wait3A_356 = tpu.memref_slice %arg10[%dma_wait3A_354, %dma_wait3A_355] : memref<16x2048xf32, #tpu.memory_space<vmem>> -> memref<4x2048xf32, #tpu.memory_space<vmem>>
        %dma_wait3A_357 = tpu.memref_slice %arg5[%add3A_353, %mul3A_6] : memref<8192x4096xf32, #tpu.memory_space<hbm>> -> memref<4x2048xf32, #tpu.memory_space<hbm>>
        %dma_wait3A_358 = tpu.memref_slice %arg5[%add3A_353, %mul3A_6] : memref<8192x4096xf32, #tpu.memory_space<hbm>> -> memref<4x2048xf32, #tpu.memory_space<hbm>>
        %dma_wait3A_359 = arith.constant 12 : i32
        %dma_wait3A_360 = arith.constant 0 : i32
        %dma_wait3A_361 = tpu.memref_slice %arg10[%dma_wait3A_359, %dma_wait3A_360] : memref<16x2048xf32, #tpu.memory_space<vmem>> -> memref<4x2048xf32, #tpu.memory_space<vmem>>
        tpu.wait_dma2 semaphore(%arg20 : memref<!tpu.dma_semaphore, #tpu.memory_space<semaphore_mem>>) src(%dma_wait3A_361 : memref<4x2048xf32, #tpu.memory_space<vmem>>) dst(%dma_wait3A_358 : memref<4x2048xf32, #tpu.memory_space<hbm>>)
      } else {
      }
      %add3A_80 = arith.constant 1 : i32
      %add3A_81 = arith.addi %add3A_77, %add3A_80 : i32
      %mul3A_82 = arith.constant 16 : i32
      %mul3A_83 = arith.muli %add3A_81, %mul3A_82 : i32
      %dma_start3A_84 = tpu.memref_slice %arg6[%mul3A_83] : memref<512xi32, #tpu.memory_space<vmem>> -> memref<16xi32, #tpu.memory_space<vmem>>
      %dma_start3A_85 = arith.constant 0 : i32
      %dma_start3A_86 = tpu.memref_slice %arg3[%dma_start3A_85, %mul3A_6] : memref<100000x4096xf32, #tpu.memory_space<hbm>> -> memref<100000x2048xf32, #tpu.memory_space<hbm>>
      tpu.enqueue_indirect_dma source(%dma_start3A_86 : memref<100000x2048xf32, #tpu.memory_space<hbm>>) target(%arg10 : memref<16x2048xf32, #tpu.memory_space<vmem>>) offsets(%dma_start3A_84 : memref<16xi32, #tpu.memory_space<vmem>>) semaphore(%arg12 : memref<!tpu.dma_semaphore, #tpu.memory_space<semaphore_mem>>)
      %mul3A_87 = arith.constant 16 : i32
      %mul3A_88 = arith.muli %add3A_77, %mul3A_87 : i32
      %dma_wait3A_89 = tpu.memref_slice %arg6[%mul3A_88] : memref<512xi32, #tpu.memory_space<vmem>> -> memref<16xi32, #tpu.memory_space<vmem>>
      %dma_wait3A_90 = arith.constant 0 : i32
      %dma_wait3A_91 = tpu.memref_slice %arg3[%dma_wait3A_90, %mul3A_6] : memref<100000x4096xf32, #tpu.memory_space<hbm>> -> memref<100000x2048xf32, #tpu.memory_space<hbm>>
      tpu.wait_indirect_dma semaphore(%arg11 : memref<!tpu.dma_semaphore, #tpu.memory_space<semaphore_mem>>) src(%dma_wait3A_91 : memref<100000x2048xf32, #tpu.memory_space<hbm>>) dst(%arg9 : memref<16x2048xf32, #tpu.memory_space<vmem>>)
      %mul3A_92 = arith.constant 4 : i32
      %mul3A_93 = arith.muli %add3A_77, %mul3A_92 : i32
      %add3A_94 = arith.addi %mul3A_4, %mul3A_93 : i32
      %dma_wait3A_95 = tpu.memref_slice %arg4[%add3A_94, %mul3A_6] : memref<2048x4096xf32, #tpu.memory_space<hbm>> -> memref<4x2048xf32, #tpu.memory_space<hbm>>
      %dma_wait3A_96 = tpu.memref_slice %arg4[%add3A_94, %mul3A_6] : memref<2048x4096xf32, #tpu.memory_space<hbm>> -> memref<4x2048xf32, #tpu.memory_space<hbm>>
      tpu.wait_dma2 semaphore(%arg21 : memref<!tpu.dma_semaphore, #tpu.memory_space<semaphore_mem>>) src(%dma_wait3A_96 : memref<4x2048xf32, #tpu.memory_space<hbm>>) dst(%arg7 : memref<4x2048xf32, #tpu.memory_space<vmem>>)
      %scan3A_97 = arith.constant 0 : i32
      %scan3A_98 = arith.constant 4 : i32
      %scan3A_99 = arith.addi %scan3A_97, %scan3A_98 : i32
      %scan3A_100 = arith.constant 1 : i32
      scf.for %scan3A_302 = %scan3A_97 to %scan3A_99 step %scan3A_100  : i32 {
        %mul3A_303 = arith.constant 1 : i32
        %mul3A_304 = arith.muli %scan3A_302, %mul3A_303 : i32
        %add3A_305 = arith.constant 0 : i32
        %add3A_306 = arith.addi %add3A_305, %mul3A_304 : i32
        %scan3A_307 = arith.constant 0 : i32
        %scan3A_308 = arith.constant 16 : i32
        %scan3A_309 = arith.addi %scan3A_307, %scan3A_308 : i32
        %scan3A_310 = arith.constant 1 : i32
        scf.for %scan3A_312 = %scan3A_307 to %scan3A_309 step %scan3A_310  : i32 {
          %mul3A_313 = arith.constant 128 : i32
          %mul3A_314 = arith.muli %scan3A_312, %mul3A_313 : i32
          %add3A_315 = arith.constant 0 : i32
          %add3A_316 = arith.addi %add3A_315, %mul3A_314 : i32
          %add3A_317 = arith.constant 0 : i32
          %add3A_318 = arith.addi %add3A_316, %add3A_317 : i32
          %get3A = arith.index_cast %add3A_306 : i32 to index
          %get3A_319 = arith.index_cast %add3A_318 : i32 to index
          %get3A_320 = tpu.vector_load %arg7[%get3A, %get3A_319] {strides = array<i32>} : memref<4x2048xf32, #tpu.memory_space<vmem>>, vector<1x16xf32>,
          %get3A_321 = vector.shape_cast %get3A_320 : vector<1x16xf32> to vector<16xf32>
          %add3A_322 = arith.constant 16 : i32
          %add3A_323 = arith.addi %add3A_316, %add3A_322 : i32
          %get3A_324 = arith.index_cast %add3A_306 : i32 to index
          %get3A_325 = arith.index_cast %add3A_323 : i32 to index
          %get3A_326 = tpu.vector_load %arg7[%get3A_324, %get3A_325] {strides = array<i32>} : memref<4x2048xf32, #tpu.memory_space<vmem>>, vector<1x16xf32>,
          %get3A_327 = vector.shape_cast %get3A_326 : vector<1x16xf32> to vector<16xf32>
          %add3A_328 = arith.constant 32 : i32
          %add3A_329 = arith.addi %add3A_316, %add3A_328 : i32
          %get3A_330 = arith.index_cast %add3A_306 : i32 to index
          %get3A_331 = arith.index_cast %add3A_329 : i32 to index
          %get3A_332 = tpu.vector_load %arg7[%get3A_330, %get3A_331] {strides = array<i32>} : memref<4x2048xf32, #tpu.memory_space<vmem>>, vector<1x16xf32>,
          %get3A_333 = vector.shape_cast %get3A_332 : vector<1x16xf32> to vector<16xf32>
          %add3A_334 = arith.constant 48 : i32
          %add3A_335 = arith.addi %add3A_316, %add3A_334 : i32
          %get3A_336 = arith.index_cast %add3A_306 : i32 to index
          %get3A_337 = arith.index_cast %add3A_335 : i32 to index
          %get3A_338 = tpu.vector_load %arg7[%get3A_336, %get3A_337] {strides = array<i32>} : memref<4x2048xf32, #tpu.memory_space<vmem>>, vector<1x16xf32>,
          %get3A_339 = vector.shape_cast %get3A_338 : vector<1x16xf32> to vector<16xf32>
          %add3A_340 = arith.constant 64 : i32
          %add3A_341 = arith.addi %add3A_316, %add3A_340 : i32
          %get3A_342 = arith.index_cast %add3A_306 : i32 to index
          %get3A_343 = arith.index_cast %add3A_341 : i32 to index
          %get3A_344 = tpu.vector_load %arg7[%get3A_342, %get3A_343] {strides = array<i32>} : memref<4x2048xf32, #tpu.memory_space<vmem>>, vector<1x16xf32>,
          %get3A_345 = vector.shape_cast %get3A_344 : vector<1x16xf32> to vector<16xf32>
          %add3A_346 = arith.constant 80 : i32
          %add3A_347 = arith.addi %add3A_316, %add3A_346 : i32
          %get3A_348 = arith.index_cast %add3A_306 : i32 to index
          %get3A_349 = arith.index_cast %add3A_347 : i32 to index
          %get3A_350 = tpu.vector_load %arg7[%get3A_348, %get3A_349] {strides = array<i32>} : memref<4x2048xf32, #tpu.memory_space<vmem>>, vector<1x16xf32>,
          %get3A_351 = vector.shape_cast %get3A_350 : vector<1x16xf32> to vector<16xf32>
          %add3A_352 = arith.constant 96 : i32
          %add3A_353 = arith.addi %add3A_316, %add3A_352 : i32
          %get3A_354 = arith.index_cast %add3A_306 : i32 to index
          %get3A_355 = arith.index_cast %add3A_353 : i32 to index
          %get3A_356 = tpu.vector_load %arg7[%get3A_354, %get3A_355] {strides = array<i32>} : memref<4x2048xf32, #tpu.memory_space<vmem>>, vector<1x16xf32>,
          %get3A_357 = vector.shape_cast %get3A_356 : vector<1x16xf32> to vector<16xf32>
          %add3A_358 = arith.constant 112 : i32
          %add3A_359 = arith.addi %add3A_316, %add3A_358 : i32
          %get3A_360 = arith.index_cast %add3A_306 : i32 to index
          %get3A_361 = arith.index_cast %add3A_359 : i32 to index
          %get3A_362 = tpu.vector_load %arg7[%get3A_360, %get3A_361] {strides = array<i32>} : memref<4x2048xf32, #tpu.memory_space<vmem>>, vector<1x16xf32>,
          %get3A_363 = vector.shape_cast %get3A_362 : vector<1x16xf32> to vector<16xf32>
          %add3A_364 = arith.constant 0 : i32
          %add3A_365 = arith.addi %add3A_364, %add3A_306 : i32
          %add3A_366 = arith.constant 0 : i32
          %add3A_367 = arith.addi %add3A_316, %add3A_366 : i32
          %swap3A = arith.index_cast %add3A_365 : i32 to index
          %swap3A_368 = arith.index_cast %add3A_367 : i32 to index
          %swap3A_369 = tpu.vector_load %arg9[%swap3A, %swap3A_368] {strides = array<i32>} : memref<16x2048xf32, #tpu.memory_space<vmem>>, vector<1x16xf32>,
          %swap3A_370 = vector.shape_cast %swap3A_369 : vector<1x16xf32> to vector<16xf32>
          %swap3A_371 = vector.shape_cast %get3A_321 : vector<16xf32> to vector<1x16xf32>
          tpu.vector_store %arg9[%swap3A, %swap3A_368], %swap3A_371 {add = true, strides = array<i32>} : memref<16x2048xf32, #tpu.memory_space<vmem>>, vector<1x16xf32>,
          %add3A_372 = arith.constant 4 : i32
          %add3A_373 = arith.addi %add3A_372, %add3A_306 : i32
          %add3A_374 = arith.constant 0 : i32
          %add3A_375 = arith.addi %add3A_316, %add3A_374 : i32
          %swap3A_376 = arith.index_cast %add3A_373 : i32 to index
          %swap3A_377 = arith.index_cast %add3A_375 : i32 to index
          %swap3A_378 = tpu.vector_load %arg9[%swap3A_376, %swap3A_377] {strides = array<i32>} : memref<16x2048xf32, #tpu.memory_space<vmem>>, vector<1x16xf32>,
          %swap3A_379 = vector.shape_cast %swap3A_378 : vector<1x16xf32> to vector<16xf32>
          %swap3A_380 = vector.shape_cast %get3A_321 : vector<16xf32> to vector<1x16xf32>
          tpu.vector_store %arg9[%swap3A_376, %swap3A_377], %swap3A_380 {add = true, strides = array<i32>} : memref<16x2048xf32, #tpu.memory_space<vmem>>, vector<1x16xf32>,
          %add3A_381 = arith.constant 8 : i32
          %add3A_382 = arith.addi %add3A_381, %add3A_306 : i32
          %add3A_383 = arith.constant 0 : i32
          %add3A_384 = arith.addi %add3A_316, %add3A_383 : i32
          %swap3A_385 = arith.index_cast %add3A_382 : i32 to index
          %swap3A_386 = arith.index_cast %add3A_384 : i32 to index
          %swap3A_387 = tpu.vector_load %arg9[%swap3A_385, %swap3A_386] {strides = array<i32>} : memref<16x2048xf32, #tpu.memory_space<vmem>>, vector<1x16xf32>,
          %swap3A_388 = vector.shape_cast %swap3A_387 : vector<1x16xf32> to vector<16xf32>
          %swap3A_389 = vector.shape_cast %get3A_321 : vector<16xf32> to vector<1x16xf32>
          tpu.vector_store %arg9[%swap3A_385, %swap3A_386], %swap3A_389 {add = true, strides = array<i32>} : memref<16x2048xf32, #tpu.memory_space<vmem>>, vector<1x16xf32>,
          %add3A_390 = arith.constant 12 : i32
          %add3A_391 = arith.addi %add3A_390, %add3A_306 : i32
          %add3A_392 = arith.constant 0 : i32
          %add3A_393 = arith.addi %add3A_316, %add3A_392 : i32
          %swap3A_394 = arith.index_cast %add3A_391 : i32 to index
          %swap3A_395 = arith.index_cast %add3A_393 : i32 to index
          %swap3A_396 = tpu.vector_load %arg9[%swap3A_394, %swap3A_395] {strides = array<i32>} : memref<16x2048xf32, #tpu.memory_space<vmem>>, vector<1x16xf32>,
          %swap3A_397 = vector.shape_cast %swap3A_396 : vector<1x16xf32> to vector<16xf32>
          %swap3A_398 = vector.shape_cast %get3A_321 : vector<16xf32> to vector<1x16xf32>
          tpu.vector_store %arg9[%swap3A_394, %swap3A_395], %swap3A_398 {add = true, strides = array<i32>} : memref<16x2048xf32, #tpu.memory_space<vmem>>, vector<1x16xf32>,
          %add3A_399 = arith.constant 0 : i32
          %add3A_400 = arith.addi %add3A_399, %add3A_306 : i32
          %add3A_401 = arith.constant 16 : i32
          %add3A_402 = arith.addi %add3A_316, %add3A_401 : i32
          %swap3A_403 = arith.index_cast %add3A_400 : i32 to index
          %swap3A_404 = arith.index_cast %add3A_402 : i32 to index
          %swap3A_405 = tpu.vector_load %arg9[%swap3A_403, %swap3A_404] {strides = array<i32>} : memref<16x2048xf32, #tpu.memory_space<vmem>>, vector<1x16xf32>,
          %swap3A_406 = vector.shape_cast %swap3A_405 : vector<1x16xf32> to vector<16xf32>
          %swap3A_407 = vector.shape_cast %get3A_327 : vector<16xf32> to vector<1x16xf32>
          tpu.vector_store %arg9[%swap3A_403, %swap3A_404], %swap3A_407 {add = true, strides = array<i32>} : memref<16x2048xf32, #tpu.memory_space<vmem>>, vector<1x16xf32>,
          %add3A_408 = arith.constant 4 : i32
          %add3A_409 = arith.addi %add3A_408, %add3A_306 : i32
          %add3A_410 = arith.constant 16 : i32
          %add3A_411 = arith.addi %add3A_316, %add3A_410 : i32
          %swap3A_412 = arith.index_cast %add3A_409 : i32 to index
          %swap3A_413 = arith.index_cast %add3A_411 : i32 to index
          %swap3A_414 = tpu.vector_load %arg9[%swap3A_412, %swap3A_413] {strides = array<i32>} : memref<16x2048xf32, #tpu.memory_space<vmem>>, vector<1x16xf32>,
          %swap3A_415 = vector.shape_cast %swap3A_414 : vector<1x16xf32> to vector<16xf32>
          %swap3A_416 = vector.shape_cast %get3A_327 : vector<16xf32> to vector<1x16xf32>
          tpu.vector_store %arg9[%swap3A_412, %swap3A_413], %swap3A_416 {add = true, strides = array<i32>} : memref<16x2048xf32, #tpu.memory_space<vmem>>, vector<1x16xf32>,
          %add3A_417 = arith.constant 8 : i32
          %add3A_418 = arith.addi %add3A_417, %add3A_306 : i32
          %add3A_419 = arith.constant 16 : i32
          %add3A_420 = arith.addi %add3A_316, %add3A_419 : i32
          %swap3A_421 = arith.index_cast %add3A_418 : i32 to index
          %swap3A_422 = arith.index_cast %add3A_420 : i32 to index
          %swap3A_423 = tpu.vector_load %arg9[%swap3A_421, %swap3A_422] {strides = array<i32>} : memref<16x2048xf32, #tpu.memory_space<vmem>>, vector<1x16xf32>,
          %swap3A_424 = vector.shape_cast %swap3A_423 : vector<1x16xf32> to vector<16xf32>
          %swap3A_425 = vector.shape_cast %get3A_327 : vector<16xf32> to vector<1x16xf32>
          tpu.vector_store %arg9[%swap3A_421, %swap3A_422], %swap3A_425 {add = true, strides = array<i32>} : memref<16x2048xf32, #tpu.memory_space<vmem>>, vector<1x16xf32>,
          %add3A_426 = arith.constant 12 : i32
          %add3A_427 = arith.addi %add3A_426, %add3A_306 : i32
          %add3A_428 = arith.constant 16 : i32
          %add3A_429 = arith.addi %add3A_316, %add3A_428 : i32
          %swap3A_430 = arith.index_cast %add3A_427 : i32 to index
          %swap3A_431 = arith.index_cast %add3A_429 : i32 to index
          %swap3A_432 = tpu.vector_load %arg9[%swap3A_430, %swap3A_431] {strides = array<i32>} : memref<16x2048xf32, #tpu.memory_space<vmem>>, vector<1x16xf32>,
          %swap3A_433 = vector.shape_cast %swap3A_432 : vector<1x16xf32> to vector<16xf32>
          %swap3A_434 = vector.shape_cast %get3A_327 : vector<16xf32> to vector<1x16xf32>
          tpu.vector_store %arg9[%swap3A_430, %swap3A_431], %swap3A_434 {add = true, strides = array<i32>} : memref<16x2048xf32, #tpu.memory_space<vmem>>, vector<1x16xf32>,
          %add3A_435 = arith.constant 0 : i32
          %add3A_436 = arith.addi %add3A_435, %add3A_306 : i32
          %add3A_437 = arith.constant 32 : i32
          %add3A_438 = arith.addi %add3A_316, %add3A_437 : i32
          %swap3A_439 = arith.index_cast %add3A_436 : i32 to index
          %swap3A_440 = arith.index_cast %add3A_438 : i32 to index
          %swap3A_441 = tpu.vector_load %arg9[%swap3A_439, %swap3A_440] {strides = array<i32>} : memref<16x2048xf32, #tpu.memory_space<vmem>>, vector<1x16xf32>,
          %swap3A_442 = vector.shape_cast %swap3A_441 : vector<1x16xf32> to vector<16xf32>
          %swap3A_443 = vector.shape_cast %get3A_333 : vector<16xf32> to vector<1x16xf32>
          tpu.vector_store %arg9[%swap3A_439, %swap3A_440], %swap3A_443 {add = true, strides = array<i32>} : memref<16x2048xf32, #tpu.memory_space<vmem>>, vector<1x16xf32>,
          %add3A_444 = arith.constant 4 : i32
          %add3A_445 = arith.addi %add3A_444, %add3A_306 : i32
          %add3A_446 = arith.constant 32 : i32
          %add3A_447 = arith.addi %add3A_316, %add3A_446 : i32
          %swap3A_448 = arith.index_cast %add3A_445 : i32 to index
          %swap3A_449 = arith.index_cast %add3A_447 : i32 to index
          %swap3A_450 = tpu.vector_load %arg9[%swap3A_448, %swap3A_449] {strides = array<i32>} : memref<16x2048xf32, #tpu.memory_space<vmem>>, vector<1x16xf32>,
          %swap3A_451 = vector.shape_cast %swap3A_450 : vector<1x16xf32> to vector<16xf32>
          %swap3A_452 = vector.shape_cast %get3A_333 : vector<16xf32> to vector<1x16xf32>
          tpu.vector_store %arg9[%swap3A_448, %swap3A_449], %swap3A_452 {add = true, strides = array<i32>} : memref<16x2048xf32, #tpu.memory_space<vmem>>, vector<1x16xf32>,
          %add3A_453 = arith.constant 8 : i32
          %add3A_454 = arith.addi %add3A_453, %add3A_306 : i32
          %add3A_455 = arith.constant 32 : i32
          %add3A_456 = arith.addi %add3A_316, %add3A_455 : i32
          %swap3A_457 = arith.index_cast %add3A_454 : i32 to index
          %swap3A_458 = arith.index_cast %add3A_456 : i32 to index
          %swap3A_459 = tpu.vector_load %arg9[%swap3A_457, %swap3A_458] {strides = array<i32>} : memref<16x2048xf32, #tpu.memory_space<vmem>>, vector<1x16xf32>,
          %swap3A_460 = vector.shape_cast %swap3A_459 : vector<1x16xf32> to vector<16xf32>
          %swap3A_461 = vector.shape_cast %get3A_333 : vector<16xf32> to vector<1x16xf32>
          tpu.vector_store %arg9[%swap3A_457, %swap3A_458], %swap3A_461 {add = true, strides = array<i32>} : memref<16x2048xf32, #tpu.memory_space<vmem>>, vector<1x16xf32>,
          %add3A_462 = arith.constant 12 : i32
          %add3A_463 = arith.addi %add3A_462, %add3A_306 : i32
          %add3A_464 = arith.constant 32 : i32
          %add3A_465 = arith.addi %add3A_316, %add3A_464 : i32
          %swap3A_466 = arith.index_cast %add3A_463 : i32 to index
          %swap3A_467 = arith.index_cast %add3A_465 : i32 to index
          %swap3A_468 = tpu.vector_load %arg9[%swap3A_466, %swap3A_467] {strides = array<i32>} : memref<16x2048xf32, #tpu.memory_space<vmem>>, vector<1x16xf32>,
          %swap3A_469 = vector.shape_cast %swap3A_468 : vector<1x16xf32> to vector<16xf32>
          %swap3A_470 = vector.shape_cast %get3A_333 : vector<16xf32> to vector<1x16xf32>
          tpu.vector_store %arg9[%swap3A_466, %swap3A_467], %swap3A_470 {add = true, strides = array<i32>} : memref<16x2048xf32, #tpu.memory_space<vmem>>, vector<1x16xf32>,
          %add3A_471 = arith.constant 0 : i32
          %add3A_472 = arith.addi %add3A_471, %add3A_306 : i32
          %add3A_473 = arith.constant 48 : i32
          %add3A_474 = arith.addi %add3A_316, %add3A_473 : i32
          %swap3A_475 = arith.index_cast %add3A_472 : i32 to index
          %swap3A_476 = arith.index_cast %add3A_474 : i32 to index
          %swap3A_477 = tpu.vector_load %arg9[%swap3A_475, %swap3A_476] {strides = array<i32>} : memref<16x2048xf32, #tpu.memory_space<vmem>>, vector<1x16xf32>,
          %swap3A_478 = vector.shape_cast %swap3A_477 : vector<1x16xf32> to vector<16xf32>
          %swap3A_479 = vector.shape_cast %get3A_339 : vector<16xf32> to vector<1x16xf32>
          tpu.vector_store %arg9[%swap3A_475, %swap3A_476], %swap3A_479 {add = true, strides = array<i32>} : memref<16x2048xf32, #tpu.memory_space<vmem>>, vector<1x16xf32>,
          %add3A_480 = arith.constant 4 : i32
          %add3A_481 = arith.addi %add3A_480, %add3A_306 : i32
          %add3A_482 = arith.constant 48 : i32
          %add3A_483 = arith.addi %add3A_316, %add3A_482 : i32
          %swap3A_484 = arith.index_cast %add3A_481 : i32 to index
          %swap3A_485 = arith.index_cast %add3A_483 : i32 to index
          %swap3A_486 = tpu.vector_load %arg9[%swap3A_484, %swap3A_485] {strides = array<i32>} : memref<16x2048xf32, #tpu.memory_space<vmem>>, vector<1x16xf32>,
          %swap3A_487 = vector.shape_cast %swap3A_486 : vector<1x16xf32> to vector<16xf32>
          %swap3A_488 = vector.shape_cast %get3A_339 : vector<16xf32> to vector<1x16xf32>
          tpu.vector_store %arg9[%swap3A_484, %swap3A_485], %swap3A_488 {add = true, strides = array<i32>} : memref<16x2048xf32, #tpu.memory_space<vmem>>, vector<1x16xf32>,
          %add3A_489 = arith.constant 8 : i32
          %add3A_490 = arith.addi %add3A_489, %add3A_306 : i32
          %add3A_491 = arith.constant 48 : i32
          %add3A_492 = arith.addi %add3A_316, %add3A_491 : i32
          %swap3A_493 = arith.index_cast %add3A_490 : i32 to index
          %swap3A_494 = arith.index_cast %add3A_492 : i32 to index
          %swap3A_495 = tpu.vector_load %arg9[%swap3A_493, %swap3A_494] {strides = array<i32>} : memref<16x2048xf32, #tpu.memory_space<vmem>>, vector<1x16xf32>,
          %swap3A_496 = vector.shape_cast %swap3A_495 : vector<1x16xf32> to vector<16xf32>
          %swap3A_497 = vector.shape_cast %get3A_339 : vector<16xf32> to vector<1x16xf32>
          tpu.vector_store %arg9[%swap3A_493, %swap3A_494], %swap3A_497 {add = true, strides = array<i32>} : memref<16x2048xf32, #tpu.memory_space<vmem>>, vector<1x16xf32>,
          %add3A_498 = arith.constant 12 : i32
          %add3A_499 = arith.addi %add3A_498, %add3A_306 : i32
          %add3A_500 = arith.constant 48 : i32
          %add3A_501 = arith.addi %add3A_316, %add3A_500 : i32
          %swap3A_502 = arith.index_cast %add3A_499 : i32 to index
          %swap3A_503 = arith.index_cast %add3A_501 : i32 to index
          %swap3A_504 = tpu.vector_load %arg9[%swap3A_502, %swap3A_503] {strides = array<i32>} : memref<16x2048xf32, #tpu.memory_space<vmem>>, vector<1x16xf32>,
          %swap3A_505 = vector.shape_cast %swap3A_504 : vector<1x16xf32> to vector<16xf32>
          %swap3A_506 = vector.shape_cast %get3A_339 : vector<16xf32> to vector<1x16xf32>
          tpu.vector_store %arg9[%swap3A_502, %swap3A_503], %swap3A_506 {add = true, strides = array<i32>} : memref<16x2048xf32, #tpu.memory_space<vmem>>, vector<1x16xf32>,
          %add3A_507 = arith.constant 0 : i32
          %add3A_508 = arith.addi %add3A_507, %add3A_306 : i32
          %add3A_509 = arith.constant 64 : i32
          %add3A_510 = arith.addi %add3A_316, %add3A_509 : i32
          %swap3A_511 = arith.index_cast %add3A_508 : i32 to index
          %swap3A_512 = arith.index_cast %add3A_510 : i32 to index
          %swap3A_513 = tpu.vector_load %arg9[%swap3A_511, %swap3A_512] {strides = array<i32>} : memref<16x2048xf32, #tpu.memory_space<vmem>>, vector<1x16xf32>,
          %swap3A_514 = vector.shape_cast %swap3A_513 : vector<1x16xf32> to vector<16xf32>
          %swap3A_515 = vector.shape_cast %get3A_345 : vector<16xf32> to vector<1x16xf32>
          tpu.vector_store %arg9[%swap3A_511, %swap3A_512], %swap3A_515 {add = true, strides = array<i32>} : memref<16x2048xf32, #tpu.memory_space<vmem>>, vector<1x16xf32>,
          %add3A_516 = arith.constant 4 : i32
          %add3A_517 = arith.addi %add3A_516, %add3A_306 : i32
          %add3A_518 = arith.constant 64 : i32
          %add3A_519 = arith.addi %add3A_316, %add3A_518 : i32
          %swap3A_520 = arith.index_cast %add3A_517 : i32 to index
          %swap3A_521 = arith.index_cast %add3A_519 : i32 to index
          %swap3A_522 = tpu.vector_load %arg9[%swap3A_520, %swap3A_521] {strides = array<i32>} : memref<16x2048xf32, #tpu.memory_space<vmem>>, vector<1x16xf32>,
          %swap3A_523 = vector.shape_cast %swap3A_522 : vector<1x16xf32> to vector<16xf32>
          %swap3A_524 = vector.shape_cast %get3A_345 : vector<16xf32> to vector<1x16xf32>
          tpu.vector_store %arg9[%swap3A_520, %swap3A_521], %swap3A_524 {add = true, strides = array<i32>} : memref<16x2048xf32, #tpu.memory_space<vmem>>, vector<1x16xf32>,
          %add3A_525 = arith.constant 8 : i32
          %add3A_526 = arith.addi %add3A_525, %add3A_306 : i32
          %add3A_527 = arith.constant 64 : i32
          %add3A_528 = arith.addi %add3A_316, %add3A_527 : i32
          %swap3A_529 = arith.index_cast %add3A_526 : i32 to index
          %swap3A_530 = arith.index_cast %add3A_528 : i32 to index
          %swap3A_531 = tpu.vector_load %arg9[%swap3A_529, %swap3A_530] {strides = array<i32>} : memref<16x2048xf32, #tpu.memory_space<vmem>>, vector<1x16xf32>,
          %swap3A_532 = vector.shape_cast %swap3A_531 : vector<1x16xf32> to vector<16xf32>
          %swap3A_533 = vector.shape_cast %get3A_345 : vector<16xf32> to vector<1x16xf32>
          tpu.vector_store %arg9[%swap3A_529, %swap3A_530], %swap3A_533 {add = true, strides = array<i32>} : memref<16x2048xf32, #tpu.memory_space<vmem>>, vector<1x16xf32>,
          %add3A_534 = arith.constant 12 : i32
          %add3A_535 = arith.addi %add3A_534, %add3A_306 : i32
          %add3A_536 = arith.constant 64 : i32
          %add3A_537 = arith.addi %add3A_316, %add3A_536 : i32
          %swap3A_538 = arith.index_cast %add3A_535 : i32 to index
          %swap3A_539 = arith.index_cast %add3A_537 : i32 to index
          %swap3A_540 = tpu.vector_load %arg9[%swap3A_538, %swap3A_539] {strides = array<i32>} : memref<16x2048xf32, #tpu.memory_space<vmem>>, vector<1x16xf32>,
          %swap3A_541 = vector.shape_cast %swap3A_540 : vector<1x16xf32> to vector<16xf32>
          %swap3A_542 = vector.shape_cast %get3A_345 : vector<16xf32> to vector<1x16xf32>
          tpu.vector_store %arg9[%swap3A_538, %swap3A_539], %swap3A_542 {add = true, strides = array<i32>} : memref<16x2048xf32, #tpu.memory_space<vmem>>, vector<1x16xf32>,
          %add3A_543 = arith.constant 0 : i32
          %add3A_544 = arith.addi %add3A_543, %add3A_306 : i32
          %add3A_545 = arith.constant 80 : i32
          %add3A_546 = arith.addi %add3A_316, %add3A_545 : i32
          %swap3A_547 = arith.index_cast %add3A_544 : i32 to index
          %swap3A_548 = arith.index_cast %add3A_546 : i32 to index
          %swap3A_549 = tpu.vector_load %arg9[%swap3A_547, %swap3A_548] {strides = array<i32>} : memref<16x2048xf32, #tpu.memory_space<vmem>>, vector<1x16xf32>,
          %swap3A_550 = vector.shape_cast %swap3A_549 : vector<1x16xf32> to vector<16xf32>
          %swap3A_551 = vector.shape_cast %get3A_351 : vector<16xf32> to vector<1x16xf32>
          tpu.vector_store %arg9[%swap3A_547, %swap3A_548], %swap3A_551 {add = true, strides = array<i32>} : memref<16x2048xf32, #tpu.memory_space<vmem>>, vector<1x16xf32>,
          %add3A_552 = arith.constant 4 : i32
          %add3A_553 = arith.addi %add3A_552, %add3A_306 : i32
          %add3A_554 = arith.constant 80 : i32
          %add3A_555 = arith.addi %add3A_316, %add3A_554 : i32
          %swap3A_556 = arith.index_cast %add3A_553 : i32 to index
          %swap3A_557 = arith.index_cast %add3A_555 : i32 to index
          %swap3A_558 = tpu.vector_load %arg9[%swap3A_556, %swap3A_557] {strides = array<i32>} : memref<16x2048xf32, #tpu.memory_space<vmem>>, vector<1x16xf32>,
          %swap3A_559 = vector.shape_cast %swap3A_558 : vector<1x16xf32> to vector<16xf32>
          %swap3A_560 = vector.shape_cast %get3A_351 : vector<16xf32> to vector<1x16xf32>
          tpu.vector_store %arg9[%swap3A_556, %swap3A_557], %swap3A_560 {add = true, strides = array<i32>} : memref<16x2048xf32, #tpu.memory_space<vmem>>, vector<1x16xf32>,
          %add3A_561 = arith.constant 8 : i32
          %add3A_562 = arith.addi %add3A_561, %add3A_306 : i32
          %add3A_563 = arith.constant 80 : i32
          %add3A_564 = arith.addi %add3A_316, %add3A_563 : i32
          %swap3A_565 = arith.index_cast %add3A_562 : i32 to index
          %swap3A_566 = arith.index_cast %add3A_564 : i32 to index
          %swap3A_567 = tpu.vector_load %arg9[%swap3A_565, %swap3A_566] {strides = array<i32>} : memref<16x2048xf32, #tpu.memory_space<vmem>>, vector<1x16xf32>,
          %swap3A_568 = vector.shape_cast %swap3A_567 : vector<1x16xf32> to vector<16xf32>
          %swap3A_569 = vector.shape_cast %get3A_351 : vector<16xf32> to vector<1x16xf32>
          tpu.vector_store %arg9[%swap3A_565, %swap3A_566], %swap3A_569 {add = true, strides = array<i32>} : memref<16x2048xf32, #tpu.memory_space<vmem>>, vector<1x16xf32>,
          %add3A_570 = arith.constant 12 : i32
          %add3A_571 = arith.addi %add3A_570, %add3A_306 : i32
          %add3A_572 = arith.constant 80 : i32
          %add3A_573 = arith.addi %add3A_316, %add3A_572 : i32
          %swap3A_574 = arith.index_cast %add3A_571 : i32 to index
          %swap3A_575 = arith.index_cast %add3A_573 : i32 to index
          %swap3A_576 = tpu.vector_load %arg9[%swap3A_574, %swap3A_575] {strides = array<i32>} : memref<16x2048xf32, #tpu.memory_space<vmem>>, vector<1x16xf32>,
          %swap3A_577 = vector.shape_cast %swap3A_576 : vector<1x16xf32> to vector<16xf32>
          %swap3A_578 = vector.shape_cast %get3A_351 : vector<16xf32> to vector<1x16xf32>
          tpu.vector_store %arg9[%swap3A_574, %swap3A_575], %swap3A_578 {add = true, strides = array<i32>} : memref<16x2048xf32, #tpu.memory_space<vmem>>, vector<1x16xf32>,
          %add3A_579 = arith.constant 0 : i32
          %add3A_580 = arith.addi %add3A_579, %add3A_306 : i32
          %add3A_581 = arith.constant 96 : i32
          %add3A_582 = arith.addi %add3A_316, %add3A_581 : i32
          %swap3A_583 = arith.index_cast %add3A_580 : i32 to index
          %swap3A_584 = arith.index_cast %add3A_582 : i32 to index
          %swap3A_585 = tpu.vector_load %arg9[%swap3A_583, %swap3A_584] {strides = array<i32>} : memref<16x2048xf32, #tpu.memory_space<vmem>>, vector<1x16xf32>,
          %swap3A_586 = vector.shape_cast %swap3A_585 : vector<1x16xf32> to vector<16xf32>
          %swap3A_587 = vector.shape_cast %get3A_357 : vector<16xf32> to vector<1x16xf32>
          tpu.vector_store %arg9[%swap3A_583, %swap3A_584], %swap3A_587 {add = true, strides = array<i32>} : memref<16x2048xf32, #tpu.memory_space<vmem>>, vector<1x16xf32>,
          %add3A_588 = arith.constant 4 : i32
          %add3A_589 = arith.addi %add3A_588, %add3A_306 : i32
          %add3A_590 = arith.constant 96 : i32
          %add3A_591 = arith.addi %add3A_316, %add3A_590 : i32
          %swap3A_592 = arith.index_cast %add3A_589 : i32 to index
          %swap3A_593 = arith.index_cast %add3A_591 : i32 to index
          %swap3A_594 = tpu.vector_load %arg9[%swap3A_592, %swap3A_593] {strides = array<i32>} : memref<16x2048xf32, #tpu.memory_space<vmem>>, vector<1x16xf32>,
          %swap3A_595 = vector.shape_cast %swap3A_594 : vector<1x16xf32> to vector<16xf32>
          %swap3A_596 = vector.shape_cast %get3A_357 : vector<16xf32> to vector<1x16xf32>
          tpu.vector_store %arg9[%swap3A_592, %swap3A_593], %swap3A_596 {add = true, strides = array<i32>} : memref<16x2048xf32, #tpu.memory_space<vmem>>, vector<1x16xf32>,
          %add3A_597 = arith.constant 8 : i32
          %add3A_598 = arith.addi %add3A_597, %add3A_306 : i32
          %add3A_599 = arith.constant 96 : i32
          %add3A_600 = arith.addi %add3A_316, %add3A_599 : i32
          %swap3A_601 = arith.index_cast %add3A_598 : i32 to index
          %swap3A_602 = arith.index_cast %add3A_600 : i32 to index
          %swap3A_603 = tpu.vector_load %arg9[%swap3A_601, %swap3A_602] {strides = array<i32>} : memref<16x2048xf32, #tpu.memory_space<vmem>>, vector<1x16xf32>,
          %swap3A_604 = vector.shape_cast %swap3A_603 : vector<1x16xf32> to vector<16xf32>
          %swap3A_605 = vector.shape_cast %get3A_357 : vector<16xf32> to vector<1x16xf32>
          tpu.vector_store %arg9[%swap3A_601, %swap3A_602], %swap3A_605 {add = true, strides = array<i32>} : memref<16x2048xf32, #tpu.memory_space<vmem>>, vector<1x16xf32>,
          %add3A_606 = arith.constant 12 : i32
          %add3A_607 = arith.addi %add3A_606, %add3A_306 : i32
          %add3A_608 = arith.constant 96 : i32
          %add3A_609 = arith.addi %add3A_316, %add3A_608 : i32
          %swap3A_610 = arith.index_cast %add3A_607 : i32 to index
          %swap3A_611 = arith.index_cast %add3A_609 : i32 to index
          %swap3A_612 = tpu.vector_load %arg9[%swap3A_610, %swap3A_611] {strides = array<i32>} : memref<16x2048xf32, #tpu.memory_space<vmem>>, vector<1x16xf32>,
          %swap3A_613 = vector.shape_cast %swap3A_612 : vector<1x16xf32> to vector<16xf32>
          %swap3A_614 = vector.shape_cast %get3A_357 : vector<16xf32> to vector<1x16xf32>
          tpu.vector_store %arg9[%swap3A_610, %swap3A_611], %swap3A_614 {add = true, strides = array<i32>} : memref<16x2048xf32, #tpu.memory_space<vmem>>, vector<1x16xf32>,
          %add3A_615 = arith.constant 0 : i32
          %add3A_616 = arith.addi %add3A_615, %add3A_306 : i32
          %add3A_617 = arith.constant 112 : i32
          %add3A_618 = arith.addi %add3A_316, %add3A_617 : i32
          %swap3A_619 = arith.index_cast %add3A_616 : i32 to index
          %swap3A_620 = arith.index_cast %add3A_618 : i32 to index
          %swap3A_621 = tpu.vector_load %arg9[%swap3A_619, %swap3A_620] {strides = array<i32>} : memref<16x2048xf32, #tpu.memory_space<vmem>>, vector<1x16xf32>,
          %swap3A_622 = vector.shape_cast %swap3A_621 : vector<1x16xf32> to vector<16xf32>
          %swap3A_623 = vector.shape_cast %get3A_363 : vector<16xf32> to vector<1x16xf32>
          tpu.vector_store %arg9[%swap3A_619, %swap3A_620], %swap3A_623 {add = true, strides = array<i32>} : memref<16x2048xf32, #tpu.memory_space<vmem>>, vector<1x16xf32>,
          %add3A_624 = arith.constant 4 : i32
          %add3A_625 = arith.addi %add3A_624, %add3A_306 : i32
          %add3A_626 = arith.constant 112 : i32
          %add3A_627 = arith.addi %add3A_316, %add3A_626 : i32
          %swap3A_628 = arith.index_cast %add3A_625 : i32 to index
          %swap3A_629 = arith.index_cast %add3A_627 : i32 to index
          %swap3A_630 = tpu.vector_load %arg9[%swap3A_628, %swap3A_629] {strides = array<i32>} : memref<16x2048xf32, #tpu.memory_space<vmem>>, vector<1x16xf32>,
          %swap3A_631 = vector.shape_cast %swap3A_630 : vector<1x16xf32> to vector<16xf32>
          %swap3A_632 = vector.shape_cast %get3A_363 : vector<16xf32> to vector<1x16xf32>
          tpu.vector_store %arg9[%swap3A_628, %swap3A_629], %swap3A_632 {add = true, strides = array<i32>} : memref<16x2048xf32, #tpu.memory_space<vmem>>, vector<1x16xf32>,
          %add3A_633 = arith.constant 8 : i32
          %add3A_634 = arith.addi %add3A_633, %add3A_306 : i32
          %add3A_635 = arith.constant 112 : i32
          %add3A_636 = arith.addi %add3A_316, %add3A_635 : i32
          %swap3A_637 = arith.index_cast %add3A_634 : i32 to index
          %swap3A_638 = arith.index_cast %add3A_636 : i32 to index
          %swap3A_639 = tpu.vector_load %arg9[%swap3A_637, %swap3A_638] {strides = array<i32>} : memref<16x2048xf32, #tpu.memory_space<vmem>>, vector<1x16xf32>,
          %swap3A_640 = vector.shape_cast %swap3A_639 : vector<1x16xf32> to vector<16xf32>
          %swap3A_641 = vector.shape_cast %get3A_363 : vector<16xf32> to vector<1x16xf32>
          tpu.vector_store %arg9[%swap3A_637, %swap3A_638], %swap3A_641 {add = true, strides = array<i32>} : memref<16x2048xf32, #tpu.memory_space<vmem>>, vector<1x16xf32>,
          %add3A_642 = arith.constant 12 : i32
          %add3A_643 = arith.addi %add3A_642, %add3A_306 : i32
          %add3A_644 = arith.constant 112 : i32
          %add3A_645 = arith.addi %add3A_316, %add3A_644 : i32
          %swap3A_646 = arith.index_cast %add3A_643 : i32 to index
          %swap3A_647 = arith.index_cast %add3A_645 : i32 to index
          %swap3A_648 = tpu.vector_load %arg9[%swap3A_646, %swap3A_647] {strides = array<i32>} : memref<16x2048xf32, #tpu.memory_space<vmem>>, vector<1x16xf32>,
          %swap3A_649 = vector.shape_cast %swap3A_648 : vector<1x16xf32> to vector<16xf32>
          %swap3A_650 = vector.shape_cast %get3A_363 : vector<16xf32> to vector<1x16xf32>
          tpu.vector_store %arg9[%swap3A_646, %swap3A_647], %swap3A_650 {add = true, strides = array<i32>} : memref<16x2048xf32, #tpu.memory_space<vmem>>, vector<1x16xf32>,
        }
        %scan3A_311 = arith.constant 16 : i32
      }
      %scan3A_101 = arith.constant 4 : i32
      %add3A_102 = arith.constant 0 : i32
      %add3A_103 = arith.addi %add3A_102, %mul3A_4 : i32
      %mul3A_104 = arith.constant 4 : i32
      %mul3A_105 = arith.muli %add3A_77, %mul3A_104 : i32
      %add3A_106 = arith.addi %add3A_103, %mul3A_105 : i32
      %dma_start3A_107 = arith.constant 0 : i32
      %dma_start3A_108 = arith.constant 0 : i32
      %dma_start3A_109 = tpu.memref_slice %arg9[%dma_start3A_107, %dma_start3A_108] : memref<16x2048xf32, #tpu.memory_space<vmem>> -> memref<4x2048xf32, #tpu.memory_space<vmem>>
      %dma_start3A_110 = tpu.memref_slice %arg5[%add3A_106, %mul3A_6] : memref<8192x4096xf32, #tpu.memory_space<hbm>> -> memref<4x2048xf32, #tpu.memory_space<hbm>>
      %dma_start3A_111 = tpu.memref_slice %arg5[%add3A_106, %mul3A_6] : memref<8192x4096xf32, #tpu.memory_space<hbm>> -> memref<4x2048xf32, #tpu.memory_space<hbm>>
      %dma_start3A_112 = arith.constant 0 : i32
      %dma_start3A_113 = arith.constant 0 : i32
      %dma_start3A_114 = tpu.memref_slice %arg9[%dma_start3A_112, %dma_start3A_113] : memref<16x2048xf32, #tpu.memory_space<vmem>> -> memref<4x2048xf32, #tpu.memory_space<vmem>>
      tpu.enqueue_dma source(%dma_start3A_114 : memref<4x2048xf32, #tpu.memory_space<vmem>>) target(%dma_start3A_111 : memref<4x2048xf32, #tpu.memory_space<hbm>>) target_semaphore(%arg13 : memref<!tpu.dma_semaphore, #tpu.memory_space<semaphore_mem>>)
      %add3A_115 = arith.constant 2048 : i32
      %add3A_116 = arith.addi %add3A_115, %mul3A_4 : i32
      %mul3A_117 = arith.constant 4 : i32
      %mul3A_118 = arith.muli %add3A_77, %mul3A_117 : i32
      %add3A_119 = arith.addi %add3A_116, %mul3A_118 : i32
      %dma_start3A_120 = arith.constant 4 : i32
      %dma_start3A_121 = arith.constant 0 : i32
      %dma_start3A_122 = tpu.memref_slice %arg9[%dma_start3A_120, %dma_start3A_121] : memref<16x2048xf32, #tpu.memory_space<vmem>> -> memref<4x2048xf32, #tpu.memory_space<vmem>>
      %dma_start3A_123 = tpu.memref_slice %arg5[%add3A_119, %mul3A_6] : memref<8192x4096xf32, #tpu.memory_space<hbm>> -> memref<4x2048xf32, #tpu.memory_space<hbm>>
      %dma_start3A_124 = tpu.memref_slice %arg5[%add3A_119, %mul3A_6] : memref<8192x4096xf32, #tpu.memory_space<hbm>> -> memref<4x2048xf32, #tpu.memory_space<hbm>>
      %dma_start3A_125 = arith.constant 4 : i32
      %dma_start3A_126 = arith.constant 0 : i32
      %dma_start3A_127 = tpu.memref_slice %arg9[%dma_start3A_125, %dma_start3A_126] : memref<16x2048xf32, #tpu.memory_space<vmem>> -> memref<4x2048xf32, #tpu.memory_space<vmem>>
      tpu.enqueue_dma source(%dma_start3A_127 : memref<4x2048xf32, #tpu.memory_space<vmem>>) target(%dma_start3A_124 : memref<4x2048xf32, #tpu.memory_space<hbm>>) target_semaphore(%arg14 : memref<!tpu.dma_semaphore, #tpu.memory_space<semaphore_mem>>)
      %add3A_128 = arith.constant 4096 : i32
      %add3A_129 = arith.addi %add3A_128, %mul3A_4 : i32
      %mul3A_130 = arith.constant 4 : i32
      %mul3A_131 = arith.muli %add3A_77, %mul3A_130 : i32
      %add3A_132 = arith.addi %add3A_129, %mul3A_131 : i32
      %dma_start3A_133 = arith.constant 8 : i32
      %dma_start3A_134 = arith.constant 0 : i32
      %dma_start3A_135 = tpu.memref_slice %arg9[%dma_start3A_133, %dma_start3A_134] : memref<16x2048xf32, #tpu.memory_space<vmem>> -> memref<4x2048xf32, #tpu.memory_space<vmem>>
      %dma_start3A_136 = tpu.memref_slice %arg5[%add3A_132, %mul3A_6] : memref<8192x4096xf32, #tpu.memory_space<hbm>> -> memref<4x2048xf32, #tpu.memory_space<hbm>>
      %dma_start3A_137 = tpu.memref_slice %arg5[%add3A_132, %mul3A_6] : memref<8192x4096xf32, #tpu.memory_space<hbm>> -> memref<4x2048xf32, #tpu.memory_space<hbm>>
      %dma_start3A_138 = arith.constant 8 : i32
      %dma_start3A_139 = arith.constant 0 : i32
      %dma_start3A_140 = tpu.memref_slice %arg9[%dma_start3A_138, %dma_start3A_139] : memref<16x2048xf32, #tpu.memory_space<vmem>> -> memref<4x2048xf32, #tpu.memory_space<vmem>>
      tpu.enqueue_dma source(%dma_start3A_140 : memref<4x2048xf32, #tpu.memory_space<vmem>>) target(%dma_start3A_137 : memref<4x2048xf32, #tpu.memory_space<hbm>>) target_semaphore(%arg15 : memref<!tpu.dma_semaphore, #tpu.memory_space<semaphore_mem>>)
      %add3A_141 = arith.constant 6144 : i32
      %add3A_142 = arith.addi %add3A_141, %mul3A_4 : i32
      %mul3A_143 = arith.constant 4 : i32
      %mul3A_144 = arith.muli %add3A_77, %mul3A_143 : i32
      %add3A_145 = arith.addi %add3A_142, %mul3A_144 : i32
      %dma_start3A_146 = arith.constant 12 : i32
      %dma_start3A_147 = arith.constant 0 : i32
      %dma_start3A_148 = tpu.memref_slice %arg9[%dma_start3A_146, %dma_start3A_147] : memref<16x2048xf32, #tpu.memory_space<vmem>> -> memref<4x2048xf32, #tpu.memory_space<vmem>>
      %dma_start3A_149 = tpu.memref_slice %arg5[%add3A_145, %mul3A_6] : memref<8192x4096xf32, #tpu.memory_space<hbm>> -> memref<4x2048xf32, #tpu.memory_space<hbm>>
      %dma_start3A_150 = tpu.memref_slice %arg5[%add3A_145, %mul3A_6] : memref<8192x4096xf32, #tpu.memory_space<hbm>> -> memref<4x2048xf32, #tpu.memory_space<hbm>>
      %dma_start3A_151 = arith.constant 12 : i32
      %dma_start3A_152 = arith.constant 0 : i32
      %dma_start3A_153 = tpu.memref_slice %arg9[%dma_start3A_151, %dma_start3A_152] : memref<16x2048xf32, #tpu.memory_space<vmem>> -> memref<4x2048xf32, #tpu.memory_space<vmem>>
      tpu.enqueue_dma source(%dma_start3A_153 : memref<4x2048xf32, #tpu.memory_space<vmem>>) target(%dma_start3A_150 : memref<4x2048xf32, #tpu.memory_space<hbm>>) target_semaphore(%arg16 : memref<!tpu.dma_semaphore, #tpu.memory_space<semaphore_mem>>)
      %add3A_154 = arith.constant 2 : i32
      %add3A_155 = arith.addi %add3A_77, %add3A_154 : i32
      %lt3A = arith.constant 32 : i32
      %lt3A_156 = arith.cmpi slt, %add3A_155, %lt3A : i32
      %convert_element_type3A_157 = arith.extui %lt3A_156 : i1 to i32
      %cond3A_158 = arith.constant 0 : i32
      %cond3A_159 = arith.cmpi ne, %convert_element_type3A_157, %cond3A_158 : i32
      scf.if %cond3A_159 {
        %add3A_302 = arith.constant 2 : i32
        %add3A_303 = arith.addi %add3A_77, %add3A_302 : i32
        %mul3A_304 = arith.constant 4 : i32
        %mul3A_305 = arith.muli %add3A_303, %mul3A_304 : i32
        %add3A_306 = arith.addi %mul3A_4, %mul3A_305 : i32
        %dma_start3A_307 = tpu.memref_slice %arg4[%add3A_306, %mul3A_6] : memref<2048x4096xf32, #tpu.memory_space<hbm>> -> memref<4x2048xf32, #tpu.memory_space<hbm>>
        %dma_start3A_308 = tpu.memref_slice %arg4[%add3A_306, %mul3A_6] : memref<2048x4096xf32, #tpu.memory_space<hbm>> -> memref<4x2048xf32, #tpu.memory_space<hbm>>
        tpu.enqueue_dma source(%dma_start3A_308 : memref<4x2048xf32, #tpu.memory_space<hbm>>) target(%arg7 : memref<4x2048xf32, #tpu.memory_space<vmem>>) target_semaphore(%arg21 : memref<!tpu.dma_semaphore, #tpu.memory_space<semaphore_mem>>)
      } else {
      }
      %add3A_160 = arith.constant 1 : i32
      %add3A_161 = arith.addi %add3A_77, %add3A_160 : i32
      %sub3A = arith.constant 1 : i32
      %sub3A_162 = arith.subi %add3A_161, %sub3A : i32
      %add3A_163 = arith.constant 0 : i32
      %add3A_164 = arith.addi %add3A_163, %mul3A_4 : i32
      %mul3A_165 = arith.constant 4 : i32
      %mul3A_166 = arith.muli %sub3A_162, %mul3A_165 : i32
      %add3A_167 = arith.addi %add3A_164, %mul3A_166 : i32
      %dma_wait3A_168 = arith.constant 0 : i32
      %dma_wait3A_169 = arith.constant 0 : i32
      %dma_wait3A_170 = tpu.memref_slice %arg9[%dma_wait3A_168, %dma_wait3A_169] : memref<16x2048xf32, #tpu.memory_space<vmem>> -> memref<4x2048xf32, #tpu.memory_space<vmem>>
      %dma_wait3A_171 = tpu.memref_slice %arg5[%add3A_167, %mul3A_6] : memref<8192x4096xf32, #tpu.memory_space<hbm>> -> memref<4x2048xf32, #tpu.memory_space<hbm>>
      %dma_wait3A_172 = tpu.memref_slice %arg5[%add3A_167, %mul3A_6] : memref<8192x4096xf32, #tpu.memory_space<hbm>> -> memref<4x2048xf32, #tpu.memory_space<hbm>>
      %dma_wait3A_173 = arith.constant 0 : i32
      %dma_wait3A_174 = arith.constant 0 : i32
      %dma_wait3A_175 = tpu.memref_slice %arg9[%dma_wait3A_173, %dma_wait3A_174] : memref<16x2048xf32, #tpu.memory_space<vmem>> -> memref<4x2048xf32, #tpu.memory_space<vmem>>
      tpu.wait_dma2 semaphore(%arg13 : memref<!tpu.dma_semaphore, #tpu.memory_space<semaphore_mem>>) src(%dma_wait3A_175 : memref<4x2048xf32, #tpu.memory_space<vmem>>) dst(%dma_wait3A_172 : memref<4x2048xf32, #tpu.memory_space<hbm>>)
      %sub3A_176 = arith.constant 1 : i32
      %sub3A_177 = arith.subi %add3A_161, %sub3A_176 : i32
      %add3A_178 = arith.constant 2048 : i32
      %add3A_179 = arith.addi %add3A_178, %mul3A_4 : i32
      %mul3A_180 = arith.constant 4 : i32
      %mul3A_181 = arith.muli %sub3A_177, %mul3A_180 : i32
      %add3A_182 = arith.addi %add3A_179, %mul3A_181 : i32
      %dma_wait3A_183 = arith.constant 4 : i32
      %dma_wait3A_184 = arith.constant 0 : i32
      %dma_wait3A_185 = tpu.memref_slice %arg9[%dma_wait3A_183, %dma_wait3A_184] : memref<16x2048xf32, #tpu.memory_space<vmem>> -> memref<4x2048xf32, #tpu.memory_space<vmem>>
      %dma_wait3A_186 = tpu.memref_slice %arg5[%add3A_182, %mul3A_6] : memref<8192x4096xf32, #tpu.memory_space<hbm>> -> memref<4x2048xf32, #tpu.memory_space<hbm>>
      %dma_wait3A_187 = tpu.memref_slice %arg5[%add3A_182, %mul3A_6] : memref<8192x4096xf32, #tpu.memory_space<hbm>> -> memref<4x2048xf32, #tpu.memory_space<hbm>>
      %dma_wait3A_188 = arith.constant 4 : i32
      %dma_wait3A_189 = arith.constant 0 : i32
      %dma_wait3A_190 = tpu.memref_slice %arg9[%dma_wait3A_188, %dma_wait3A_189] : memref<16x2048xf32, #tpu.memory_space<vmem>> -> memref<4x2048xf32, #tpu.memory_space<vmem>>
      tpu.wait_dma2 semaphore(%arg14 : memref<!tpu.dma_semaphore, #tpu.memory_space<semaphore_mem>>) src(%dma_wait3A_190 : memref<4x2048xf32, #tpu.memory_space<vmem>>) dst(%dma_wait3A_187 : memref<4x2048xf32, #tpu.memory_space<hbm>>)
      %sub3A_191 = arith.constant 1 : i32
      %sub3A_192 = arith.subi %add3A_161, %sub3A_191 : i32
      %add3A_193 = arith.constant 4096 : i32
      %add3A_194 = arith.addi %add3A_193, %mul3A_4 : i32
      %mul3A_195 = arith.constant 4 : i32
      %mul3A_196 = arith.muli %sub3A_192, %mul3A_195 : i32
      %add3A_197 = arith.addi %add3A_194, %mul3A_196 : i32
      %dma_wait3A_198 = arith.constant 8 : i32
      %dma_wait3A_199 = arith.constant 0 : i32
      %dma_wait3A_200 = tpu.memref_slice %arg9[%dma_wait3A_198, %dma_wait3A_199] : memref<16x2048xf32, #tpu.memory_space<vmem>> -> memref<4x2048xf32, #tpu.memory_space<vmem>>
      %dma_wait3A_201 = tpu.memref_slice %arg5[%add3A_197, %mul3A_6] : memref<8192x4096xf32, #tpu.memory_space<hbm>> -> memref<4x2048xf32, #tpu.memory_space<hbm>>
      %dma_wait3A_202 = tpu.memref_slice %arg5[%add3A_197, %mul3A_6] : memref<8192x4096xf32, #tpu.memory_space<hbm>> -> memref<4x2048xf32, #tpu.memory_space<hbm>>
      %dma_wait3A_203 = arith.constant 8 : i32
      %dma_wait3A_204 = arith.constant 0 : i32
      %dma_wait3A_205 = tpu.memref_slice %arg9[%dma_wait3A_203, %dma_wait3A_204] : memref<16x2048xf32, #tpu.memory_space<vmem>> -> memref<4x2048xf32, #tpu.memory_space<vmem>>
      tpu.wait_dma2 semaphore(%arg15 : memref<!tpu.dma_semaphore, #tpu.memory_space<semaphore_mem>>) src(%dma_wait3A_205 : memref<4x2048xf32, #tpu.memory_space<vmem>>) dst(%dma_wait3A_202 : memref<4x2048xf32, #tpu.memory_space<hbm>>)
      %sub3A_206 = arith.constant 1 : i32
      %sub3A_207 = arith.subi %add3A_161, %sub3A_206 : i32
      %add3A_208 = arith.constant 6144 : i32
      %add3A_209 = arith.addi %add3A_208, %mul3A_4 : i32
      %mul3A_210 = arith.constant 4 : i32
      %mul3A_211 = arith.muli %sub3A_207, %mul3A_210 : i32
      %add3A_212 = arith.addi %add3A_209, %mul3A_211 : i32
      %dma_wait3A_213 = arith.constant 12 : i32
      %dma_wait3A_214 = arith.constant 0 : i32
      %dma_wait3A_215 = tpu.memref_slice %arg9[%dma_wait3A_213, %dma_wait3A_214] : memref<16x2048xf32, #tpu.memory_space<vmem>> -> memref<4x2048xf32, #tpu.memory_space<vmem>>
      %dma_wait3A_216 = tpu.memref_slice %arg5[%add3A_212, %mul3A_6] : memref<8192x4096xf32, #tpu.memory_space<hbm>> -> memref<4x2048xf32, #tpu.memory_space<hbm>>
      %dma_wait3A_217 = tpu.memref_slice %arg5[%add3A_212, %mul3A_6] : memref<8192x4096xf32, #tpu.memory_space<hbm>> -> memref<4x2048xf32, #tpu.memory_space<hbm>>
      %dma_wait3A_218 = arith.constant 12 : i32
      %dma_wait3A_219 = arith.constant 0 : i32
      %dma_wait3A_220 = tpu.memref_slice %arg9[%dma_wait3A_218, %dma_wait3A_219] : memref<16x2048xf32, #tpu.memory_space<vmem>> -> memref<4x2048xf32, #tpu.memory_space<vmem>>
      tpu.wait_dma2 semaphore(%arg16 : memref<!tpu.dma_semaphore, #tpu.memory_space<semaphore_mem>>) src(%dma_wait3A_220 : memref<4x2048xf32, #tpu.memory_space<vmem>>) dst(%dma_wait3A_217 : memref<4x2048xf32, #tpu.memory_space<hbm>>)
      %add3A_221 = arith.constant 1 : i32
      %add3A_222 = arith.addi %add3A_161, %add3A_221 : i32
      %lt3A_223 = arith.constant 32 : i32
      %lt3A_224 = arith.cmpi slt, %add3A_222, %lt3A_223 : i32
      %convert_element_type3A_225 = arith.extui %lt3A_224 : i1 to i32
      %cond3A_226 = arith.constant 0 : i32
      %cond3A_227 = arith.cmpi ne, %convert_element_type3A_225, %cond3A_226 : i32
      scf.if %cond3A_227 {
        %add3A_302 = arith.constant 1 : i32
        %add3A_303 = arith.addi %add3A_161, %add3A_302 : i32
        %mul3A_304 = arith.constant 16 : i32
        %mul3A_305 = arith.muli %add3A_303, %mul3A_304 : i32
        %dma_start3A_306 = tpu.memref_slice %arg6[%mul3A_305] : memref<512xi32, #tpu.memory_space<vmem>> -> memref<16xi32, #tpu.memory_space<vmem>>
        %dma_start3A_307 = arith.constant 0 : i32
        %dma_start3A_308 = tpu.memref_slice %arg3[%dma_start3A_307, %mul3A_6] : memref<100000x4096xf32, #tpu.memory_space<hbm>> -> memref<100000x2048xf32, #tpu.memory_space<hbm>>
        tpu.enqueue_indirect_dma source(%dma_start3A_308 : memref<100000x2048xf32, #tpu.memory_space<hbm>>) target(%arg9 : memref<16x2048xf32, #tpu.memory_space<vmem>>) offsets(%dma_start3A_306 : memref<16xi32, #tpu.memory_space<vmem>>) semaphore(%arg11 : memref<!tpu.dma_semaphore, #tpu.memory_space<semaphore_mem>>)
      } else {
      }
      %mul3A_228 = arith.constant 16 : i32
      %mul3A_229 = arith.muli %add3A_161, %mul3A_228 : i32
      %dma_wait3A_230 = tpu.memref_slice %arg6[%mul3A_229] : memref<512xi32, #tpu.memory_space<vmem>> -> memref<16xi32, #tpu.memory_space<vmem>>
      %dma_wait3A_231 = arith.constant 0 : i32
      %dma_wait3A_232 = tpu.memref_slice %arg3[%dma_wait3A_231, %mul3A_6] : memref<100000x4096xf32, #tpu.memory_space<hbm>> -> memref<100000x2048xf32, #tpu.memory_space<hbm>>
      tpu.wait_indirect_dma semaphore(%arg12 : memref<!tpu.dma_semaphore, #tpu.memory_space<semaphore_mem>>) src(%dma_wait3A_232 : memref<100000x2048xf32, #tpu.memory_space<hbm>>) dst(%arg10 : memref<16x2048xf32, #tpu.memory_space<vmem>>)
      %mul3A_233 = arith.constant 4 : i32
      %mul3A_234 = arith.muli %add3A_161, %mul3A_233 : i32
      %add3A_235 = arith.addi %mul3A_4, %mul3A_234 : i32
      %dma_wait3A_236 = tpu.memref_slice %arg4[%add3A_235, %mul3A_6] : memref<2048x4096xf32, #tpu.memory_space<hbm>> -> memref<4x2048xf32, #tpu.memory_space<hbm>>
      %dma_wait3A_237 = tpu.memref_slice %arg4[%add3A_235, %mul3A_6] : memref<2048x4096xf32, #tpu.memory_space<hbm>> -> memref<4x2048xf32, #tpu.memory_space<hbm>>
      tpu.wait_dma2 semaphore(%arg22 : memref<!tpu.dma_semaphore, #tpu.memory_space<semaphore_mem>>) src(%dma_wait3A_237 : memref<4x2048xf32, #tpu.memory_space<hbm>>) dst(%arg8 : memref<4x2048xf32, #tpu.memory_space<vmem>>)
      %scan3A_238 = arith.constant 0 : i32
      %scan3A_239 = arith.constant 4 : i32
      %scan3A_240 = arith.addi %scan3A_238, %scan3A_239 : i32
      %scan3A_241 = arith.constant 1 : i32
      scf.for %scan3A_302 = %scan3A_238 to %scan3A_240 step %scan3A_241  : i32 {
        %mul3A_303 = arith.constant 1 : i32
        %mul3A_304 = arith.muli %scan3A_302, %mul3A_303 : i32
        %add3A_305 = arith.constant 0 : i32
        %add3A_306 = arith.addi %add3A_305, %mul3A_304 : i32
        %scan3A_307 = arith.constant 0 : i32
        %scan3A_308 = arith.constant 16 : i32
        %scan3A_309 = arith.addi %scan3A_307, %scan3A_308 : i32
        %scan3A_310 = arith.constant 1 : i32
        scf.for %scan3A_312 = %scan3A_307 to %scan3A_309 step %scan3A_310  : i32 {
          %mul3A_313 = arith.constant 128 : i32
          %mul3A_314 = arith.muli %scan3A_312, %mul3A_313 : i32
          %add3A_315 = arith.constant 0 : i32
          %add3A_316 = arith.addi %add3A_315, %mul3A_314 : i32
          %add3A_317 = arith.constant 0 : i32
          %add3A_318 = arith.addi %add3A_316, %add3A_317 : i32
          %get3A = arith.index_cast %add3A_306 : i32 to index
          %get3A_319 = arith.index_cast %add3A_318 : i32 to index
          %get3A_320 = tpu.vector_load %arg8[%get3A, %get3A_319] {strides = array<i32>} : memref<4x2048xf32, #tpu.memory_space<vmem>>, vector<1x16xf32>,
          %get3A_321 = vector.shape_cast %get3A_320 : vector<1x16xf32> to vector<16xf32>
          %add3A_322 = arith.constant 16 : i32
          %add3A_323 = arith.addi %add3A_316, %add3A_322 : i32
          %get3A_324 = arith.index_cast %add3A_306 : i32 to index
          %get3A_325 = arith.index_cast %add3A_323 : i32 to index
          %get3A_326 = tpu.vector_load %arg8[%get3A_324, %get3A_325] {strides = array<i32>} : memref<4x2048xf32, #tpu.memory_space<vmem>>, vector<1x16xf32>,
          %get3A_327 = vector.shape_cast %get3A_326 : vector<1x16xf32> to vector<16xf32>
          %add3A_328 = arith.constant 32 : i32
          %add3A_329 = arith.addi %add3A_316, %add3A_328 : i32
          %get3A_330 = arith.index_cast %add3A_306 : i32 to index
          %get3A_331 = arith.index_cast %add3A_329 : i32 to index
          %get3A_332 = tpu.vector_load %arg8[%get3A_330, %get3A_331] {strides = array<i32>} : memref<4x2048xf32, #tpu.memory_space<vmem>>, vector<1x16xf32>,
          %get3A_333 = vector.shape_cast %get3A_332 : vector<1x16xf32> to vector<16xf32>
          %add3A_334 = arith.constant 48 : i32
          %add3A_335 = arith.addi %add3A_316, %add3A_334 : i32
          %get3A_336 = arith.index_cast %add3A_306 : i32 to index
          %get3A_337 = arith.index_cast %add3A_335 : i32 to index
          %get3A_338 = tpu.vector_load %arg8[%get3A_336, %get3A_337] {strides = array<i32>} : memref<4x2048xf32, #tpu.memory_space<vmem>>, vector<1x16xf32>,
          %get3A_339 = vector.shape_cast %get3A_338 : vector<1x16xf32> to vector<16xf32>
          %add3A_340 = arith.constant 64 : i32
          %add3A_341 = arith.addi %add3A_316, %add3A_340 : i32
          %get3A_342 = arith.index_cast %add3A_306 : i32 to index
          %get3A_343 = arith.index_cast %add3A_341 : i32 to index
          %get3A_344 = tpu.vector_load %arg8[%get3A_342, %get3A_343] {strides = array<i32>} : memref<4x2048xf32, #tpu.memory_space<vmem>>, vector<1x16xf32>,
          %get3A_345 = vector.shape_cast %get3A_344 : vector<1x16xf32> to vector<16xf32>
          %add3A_346 = arith.constant 80 : i32
          %add3A_347 = arith.addi %add3A_316, %add3A_346 : i32
          %get3A_348 = arith.index_cast %add3A_306 : i32 to index
          %get3A_349 = arith.index_cast %add3A_347 : i32 to index
          %get3A_350 = tpu.vector_load %arg8[%get3A_348, %get3A_349] {strides = array<i32>} : memref<4x2048xf32, #tpu.memory_space<vmem>>, vector<1x16xf32>,
          %get3A_351 = vector.shape_cast %get3A_350 : vector<1x16xf32> to vector<16xf32>
          %add3A_352 = arith.constant 96 : i32
          %add3A_353 = arith.addi %add3A_316, %add3A_352 : i32
          %get3A_354 = arith.index_cast %add3A_306 : i32 to index
          %get3A_355 = arith.index_cast %add3A_353 : i32 to index
          %get3A_356 = tpu.vector_load %arg8[%get3A_354, %get3A_355] {strides = array<i32>} : memref<4x2048xf32, #tpu.memory_space<vmem>>, vector<1x16xf32>,
          %get3A_357 = vector.shape_cast %get3A_356 : vector<1x16xf32> to vector<16xf32>
          %add3A_358 = arith.constant 112 : i32
          %add3A_359 = arith.addi %add3A_316, %add3A_358 : i32
          %get3A_360 = arith.index_cast %add3A_306 : i32 to index
          %get3A_361 = arith.index_cast %add3A_359 : i32 to index
          %get3A_362 = tpu.vector_load %arg8[%get3A_360, %get3A_361] {strides = array<i32>} : memref<4x2048xf32, #tpu.memory_space<vmem>>, vector<1x16xf32>,
          %get3A_363 = vector.shape_cast %get3A_362 : vector<1x16xf32> to vector<16xf32>
          %add3A_364 = arith.constant 0 : i32
          %add3A_365 = arith.addi %add3A_364, %add3A_306 : i32
          %add3A_366 = arith.constant 0 : i32
          %add3A_367 = arith.addi %add3A_316, %add3A_366 : i32
          %swap3A = arith.index_cast %add3A_365 : i32 to index
          %swap3A_368 = arith.index_cast %add3A_367 : i32 to index
          %swap3A_369 = tpu.vector_load %arg10[%swap3A, %swap3A_368] {strides = array<i32>} : memref<16x2048xf32, #tpu.memory_space<vmem>>, vector<1x16xf32>,
          %swap3A_370 = vector.shape_cast %swap3A_369 : vector<1x16xf32> to vector<16xf32>
          %swap3A_371 = vector.shape_cast %get3A_321 : vector<16xf32> to vector<1x16xf32>
          tpu.vector_store %arg10[%swap3A, %swap3A_368], %swap3A_371 {add = true, strides = array<i32>} : memref<16x2048xf32, #tpu.memory_space<vmem>>, vector<1x16xf32>,
          %add3A_372 = arith.constant 4 : i32
          %add3A_373 = arith.addi %add3A_372, %add3A_306 : i32
          %add3A_374 = arith.constant 0 : i32
          %add3A_375 = arith.addi %add3A_316, %add3A_374 : i32
          %swap3A_376 = arith.index_cast %add3A_373 : i32 to index
          %swap3A_377 = arith.index_cast %add3A_375 : i32 to index
          %swap3A_378 = tpu.vector_load %arg10[%swap3A_376, %swap3A_377] {strides = array<i32>} : memref<16x2048xf32, #tpu.memory_space<vmem>>, vector<1x16xf32>,
          %swap3A_379 = vector.shape_cast %swap3A_378 : vector<1x16xf32> to vector<16xf32>
          %swap3A_380 = vector.shape_cast %get3A_321 : vector<16xf32> to vector<1x16xf32>
          tpu.vector_store %arg10[%swap3A_376, %swap3A_377], %swap3A_380 {add = true, strides = array<i32>} : memref<16x2048xf32, #tpu.memory_space<vmem>>, vector<1x16xf32>,
          %add3A_381 = arith.constant 8 : i32
          %add3A_382 = arith.addi %add3A_381, %add3A_306 : i32
          %add3A_383 = arith.constant 0 : i32
          %add3A_384 = arith.addi %add3A_316, %add3A_383 : i32
          %swap3A_385 = arith.index_cast %add3A_382 : i32 to index
          %swap3A_386 = arith.index_cast %add3A_384 : i32 to index
          %swap3A_387 = tpu.vector_load %arg10[%swap3A_385, %swap3A_386] {strides = array<i32>} : memref<16x2048xf32, #tpu.memory_space<vmem>>, vector<1x16xf32>,
          %swap3A_388 = vector.shape_cast %swap3A_387 : vector<1x16xf32> to vector<16xf32>
          %swap3A_389 = vector.shape_cast %get3A_321 : vector<16xf32> to vector<1x16xf32>
          tpu.vector_store %arg10[%swap3A_385, %swap3A_386], %swap3A_389 {add = true, strides = array<i32>} : memref<16x2048xf32, #tpu.memory_space<vmem>>, vector<1x16xf32>,
          %add3A_390 = arith.constant 12 : i32
          %add3A_391 = arith.addi %add3A_390, %add3A_306 : i32
          %add3A_392 = arith.constant 0 : i32
          %add3A_393 = arith.addi %add3A_316, %add3A_392 : i32
          %swap3A_394 = arith.index_cast %add3A_391 : i32 to index
          %swap3A_395 = arith.index_cast %add3A_393 : i32 to index
          %swap3A_396 = tpu.vector_load %arg10[%swap3A_394, %swap3A_395] {strides = array<i32>} : memref<16x2048xf32, #tpu.memory_space<vmem>>, vector<1x16xf32>,
          %swap3A_397 = vector.shape_cast %swap3A_396 : vector<1x16xf32> to vector<16xf32>
          %swap3A_398 = vector.shape_cast %get3A_321 : vector<16xf32> to vector<1x16xf32>
          tpu.vector_store %arg10[%swap3A_394, %swap3A_395], %swap3A_398 {add = true, strides = array<i32>} : memref<16x2048xf32, #tpu.memory_space<vmem>>, vector<1x16xf32>,
          %add3A_399 = arith.constant 0 : i32
          %add3A_400 = arith.addi %add3A_399, %add3A_306 : i32
          %add3A_401 = arith.constant 16 : i32
          %add3A_402 = arith.addi %add3A_316, %add3A_401 : i32
          %swap3A_403 = arith.index_cast %add3A_400 : i32 to index
          %swap3A_404 = arith.index_cast %add3A_402 : i32 to index
          %swap3A_405 = tpu.vector_load %arg10[%swap3A_403, %swap3A_404] {strides = array<i32>} : memref<16x2048xf32, #tpu.memory_space<vmem>>, vector<1x16xf32>,
          %swap3A_406 = vector.shape_cast %swap3A_405 : vector<1x16xf32> to vector<16xf32>
          %swap3A_407 = vector.shape_cast %get3A_327 : vector<16xf32> to vector<1x16xf32>
          tpu.vector_store %arg10[%swap3A_403, %swap3A_404], %swap3A_407 {add = true, strides = array<i32>} : memref<16x2048xf32, #tpu.memory_space<vmem>>, vector<1x16xf32>,
          %add3A_408 = arith.constant 4 : i32
          %add3A_409 = arith.addi %add3A_408, %add3A_306 : i32
          %add3A_410 = arith.constant 16 : i32
          %add3A_411 = arith.addi %add3A_316, %add3A_410 : i32
          %swap3A_412 = arith.index_cast %add3A_409 : i32 to index
          %swap3A_413 = arith.index_cast %add3A_411 : i32 to index
          %swap3A_414 = tpu.vector_load %arg10[%swap3A_412, %swap3A_413] {strides = array<i32>} : memref<16x2048xf32, #tpu.memory_space<vmem>>, vector<1x16xf32>,
          %swap3A_415 = vector.shape_cast %swap3A_414 : vector<1x16xf32> to vector<16xf32>
          %swap3A_416 = vector.shape_cast %get3A_327 : vector<16xf32> to vector<1x16xf32>
          tpu.vector_store %arg10[%swap3A_412, %swap3A_413], %swap3A_416 {add = true, strides = array<i32>} : memref<16x2048xf32, #tpu.memory_space<vmem>>, vector<1x16xf32>,
          %add3A_417 = arith.constant 8 : i32
          %add3A_418 = arith.addi %add3A_417, %add3A_306 : i32
          %add3A_419 = arith.constant 16 : i32
          %add3A_420 = arith.addi %add3A_316, %add3A_419 : i32
          %swap3A_421 = arith.index_cast %add3A_418 : i32 to index
          %swap3A_422 = arith.index_cast %add3A_420 : i32 to index
          %swap3A_423 = tpu.vector_load %arg10[%swap3A_421, %swap3A_422] {strides = array<i32>} : memref<16x2048xf32, #tpu.memory_space<vmem>>, vector<1x16xf32>,
          %swap3A_424 = vector.shape_cast %swap3A_423 : vector<1x16xf32> to vector<16xf32>
          %swap3A_425 = vector.shape_cast %get3A_327 : vector<16xf32> to vector<1x16xf32>
          tpu.vector_store %arg10[%swap3A_421, %swap3A_422], %swap3A_425 {add = true, strides = array<i32>} : memref<16x2048xf32, #tpu.memory_space<vmem>>, vector<1x16xf32>,
          %add3A_426 = arith.constant 12 : i32
          %add3A_427 = arith.addi %add3A_426, %add3A_306 : i32
          %add3A_428 = arith.constant 16 : i32
          %add3A_429 = arith.addi %add3A_316, %add3A_428 : i32
          %swap3A_430 = arith.index_cast %add3A_427 : i32 to index
          %swap3A_431 = arith.index_cast %add3A_429 : i32 to index
          %swap3A_432 = tpu.vector_load %arg10[%swap3A_430, %swap3A_431] {strides = array<i32>} : memref<16x2048xf32, #tpu.memory_space<vmem>>, vector<1x16xf32>,
          %swap3A_433 = vector.shape_cast %swap3A_432 : vector<1x16xf32> to vector<16xf32>
          %swap3A_434 = vector.shape_cast %get3A_327 : vector<16xf32> to vector<1x16xf32>
          tpu.vector_store %arg10[%swap3A_430, %swap3A_431], %swap3A_434 {add = true, strides = array<i32>} : memref<16x2048xf32, #tpu.memory_space<vmem>>, vector<1x16xf32>,
          %add3A_435 = arith.constant 0 : i32
          %add3A_436 = arith.addi %add3A_435, %add3A_306 : i32
          %add3A_437 = arith.constant 32 : i32
          %add3A_438 = arith.addi %add3A_316, %add3A_437 : i32
          %swap3A_439 = arith.index_cast %add3A_436 : i32 to index
          %swap3A_440 = arith.index_cast %add3A_438 : i32 to index
          %swap3A_441 = tpu.vector_load %arg10[%swap3A_439, %swap3A_440] {strides = array<i32>} : memref<16x2048xf32, #tpu.memory_space<vmem>>, vector<1x16xf32>,
          %swap3A_442 = vector.shape_cast %swap3A_441 : vector<1x16xf32> to vector<16xf32>
          %swap3A_443 = vector.shape_cast %get3A_333 : vector<16xf32> to vector<1x16xf32>
          tpu.vector_store %arg10[%swap3A_439, %swap3A_440], %swap3A_443 {add = true, strides = array<i32>} : memref<16x2048xf32, #tpu.memory_space<vmem>>, vector<1x16xf32>,
          %add3A_444 = arith.constant 4 : i32
          %add3A_445 = arith.addi %add3A_444, %add3A_306 : i32
          %add3A_446 = arith.constant 32 : i32
          %add3A_447 = arith.addi %add3A_316, %add3A_446 : i32
          %swap3A_448 = arith.index_cast %add3A_445 : i32 to index
          %swap3A_449 = arith.index_cast %add3A_447 : i32 to index
          %swap3A_450 = tpu.vector_load %arg10[%swap3A_448, %swap3A_449] {strides = array<i32>} : memref<16x2048xf32, #tpu.memory_space<vmem>>, vector<1x16xf32>,
          %swap3A_451 = vector.shape_cast %swap3A_450 : vector<1x16xf32> to vector<16xf32>
          %swap3A_452 = vector.shape_cast %get3A_333 : vector<16xf32> to vector<1x16xf32>
          tpu.vector_store %arg10[%swap3A_448, %swap3A_449], %swap3A_452 {add = true, strides = array<i32>} : memref<16x2048xf32, #tpu.memory_space<vmem>>, vector<1x16xf32>,
          %add3A_453 = arith.constant 8 : i32
          %add3A_454 = arith.addi %add3A_453, %add3A_306 : i32
          %add3A_455 = arith.constant 32 : i32
          %add3A_456 = arith.addi %add3A_316, %add3A_455 : i32
          %swap3A_457 = arith.index_cast %add3A_454 : i32 to index
          %swap3A_458 = arith.index_cast %add3A_456 : i32 to index
          %swap3A_459 = tpu.vector_load %arg10[%swap3A_457, %swap3A_458] {strides = array<i32>} : memref<16x2048xf32, #tpu.memory_space<vmem>>, vector<1x16xf32>,
          %swap3A_460 = vector.shape_cast %swap3A_459 : vector<1x16xf32> to vector<16xf32>
          %swap3A_461 = vector.shape_cast %get3A_333 : vector<16xf32> to vector<1x16xf32>
          tpu.vector_store %arg10[%swap3A_457, %swap3A_458], %swap3A_461 {add = true, strides = array<i32>} : memref<16x2048xf32, #tpu.memory_space<vmem>>, vector<1x16xf32>,
          %add3A_462 = arith.constant 12 : i32
          %add3A_463 = arith.addi %add3A_462, %add3A_306 : i32
          %add3A_464 = arith.constant 32 : i32
          %add3A_465 = arith.addi %add3A_316, %add3A_464 : i32
          %swap3A_466 = arith.index_cast %add3A_463 : i32 to index
          %swap3A_467 = arith.index_cast %add3A_465 : i32 to index
          %swap3A_468 = tpu.vector_load %arg10[%swap3A_466, %swap3A_467] {strides = array<i32>} : memref<16x2048xf32, #tpu.memory_space<vmem>>, vector<1x16xf32>,
          %swap3A_469 = vector.shape_cast %swap3A_468 : vector<1x16xf32> to vector<16xf32>
          %swap3A_470 = vector.shape_cast %get3A_333 : vector<16xf32> to vector<1x16xf32>
          tpu.vector_store %arg10[%swap3A_466, %swap3A_467], %swap3A_470 {add = true, strides = array<i32>} : memref<16x2048xf32, #tpu.memory_space<vmem>>, vector<1x16xf32>,
          %add3A_471 = arith.constant 0 : i32
          %add3A_472 = arith.addi %add3A_471, %add3A_306 : i32
          %add3A_473 = arith.constant 48 : i32
          %add3A_474 = arith.addi %add3A_316, %add3A_473 : i32
          %swap3A_475 = arith.index_cast %add3A_472 : i32 to index
          %swap3A_476 = arith.index_cast %add3A_474 : i32 to index
          %swap3A_477 = tpu.vector_load %arg10[%swap3A_475, %swap3A_476] {strides = array<i32>} : memref<16x2048xf32, #tpu.memory_space<vmem>>, vector<1x16xf32>,
          %swap3A_478 = vector.shape_cast %swap3A_477 : vector<1x16xf32> to vector<16xf32>
          %swap3A_479 = vector.shape_cast %get3A_339 : vector<16xf32> to vector<1x16xf32>
          tpu.vector_store %arg10[%swap3A_475, %swap3A_476], %swap3A_479 {add = true, strides = array<i32>} : memref<16x2048xf32, #tpu.memory_space<vmem>>, vector<1x16xf32>,
          %add3A_480 = arith.constant 4 : i32
          %add3A_481 = arith.addi %add3A_480, %add3A_306 : i32
          %add3A_482 = arith.constant 48 : i32
          %add3A_483 = arith.addi %add3A_316, %add3A_482 : i32
          %swap3A_484 = arith.index_cast %add3A_481 : i32 to index
          %swap3A_485 = arith.index_cast %add3A_483 : i32 to index
          %swap3A_486 = tpu.vector_load %arg10[%swap3A_484, %swap3A_485] {strides = array<i32>} : memref<16x2048xf32, #tpu.memory_space<vmem>>, vector<1x16xf32>,
          %swap3A_487 = vector.shape_cast %swap3A_486 : vector<1x16xf32> to vector<16xf32>
          %swap3A_488 = vector.shape_cast %get3A_339 : vector<16xf32> to vector<1x16xf32>
          tpu.vector_store %arg10[%swap3A_484, %swap3A_485], %swap3A_488 {add = true, strides = array<i32>} : memref<16x2048xf32, #tpu.memory_space<vmem>>, vector<1x16xf32>,
          %add3A_489 = arith.constant 8 : i32
          %add3A_490 = arith.addi %add3A_489, %add3A_306 : i32
          %add3A_491 = arith.constant 48 : i32
          %add3A_492 = arith.addi %add3A_316, %add3A_491 : i32
          %swap3A_493 = arith.index_cast %add3A_490 : i32 to index
          %swap3A_494 = arith.index_cast %add3A_492 : i32 to index
          %swap3A_495 = tpu.vector_load %arg10[%swap3A_493, %swap3A_494] {strides = array<i32>} : memref<16x2048xf32, #tpu.memory_space<vmem>>, vector<1x16xf32>,
          %swap3A_496 = vector.shape_cast %swap3A_495 : vector<1x16xf32> to vector<16xf32>
          %swap3A_497 = vector.shape_cast %get3A_339 : vector<16xf32> to vector<1x16xf32>
          tpu.vector_store %arg10[%swap3A_493, %swap3A_494], %swap3A_497 {add = true, strides = array<i32>} : memref<16x2048xf32, #tpu.memory_space<vmem>>, vector<1x16xf32>,
          %add3A_498 = arith.constant 12 : i32
          %add3A_499 = arith.addi %add3A_498, %add3A_306 : i32
          %add3A_500 = arith.constant 48 : i32
          %add3A_501 = arith.addi %add3A_316, %add3A_500 : i32
          %swap3A_502 = arith.index_cast %add3A_499 : i32 to index
          %swap3A_503 = arith.index_cast %add3A_501 : i32 to index
          %swap3A_504 = tpu.vector_load %arg10[%swap3A_502, %swap3A_503] {strides = array<i32>} : memref<16x2048xf32, #tpu.memory_space<vmem>>, vector<1x16xf32>,
          %swap3A_505 = vector.shape_cast %swap3A_504 : vector<1x16xf32> to vector<16xf32>
          %swap3A_506 = vector.shape_cast %get3A_339 : vector<16xf32> to vector<1x16xf32>
          tpu.vector_store %arg10[%swap3A_502, %swap3A_503], %swap3A_506 {add = true, strides = array<i32>} : memref<16x2048xf32, #tpu.memory_space<vmem>>, vector<1x16xf32>,
          %add3A_507 = arith.constant 0 : i32
          %add3A_508 = arith.addi %add3A_507, %add3A_306 : i32
          %add3A_509 = arith.constant 64 : i32
          %add3A_510 = arith.addi %add3A_316, %add3A_509 : i32
          %swap3A_511 = arith.index_cast %add3A_508 : i32 to index
          %swap3A_512 = arith.index_cast %add3A_510 : i32 to index
          %swap3A_513 = tpu.vector_load %arg10[%swap3A_511, %swap3A_512] {strides = array<i32>} : memref<16x2048xf32, #tpu.memory_space<vmem>>, vector<1x16xf32>,
          %swap3A_514 = vector.shape_cast %swap3A_513 : vector<1x16xf32> to vector<16xf32>
          %swap3A_515 = vector.shape_cast %get3A_345 : vector<16xf32> to vector<1x16xf32>
          tpu.vector_store %arg10[%swap3A_511, %swap3A_512], %swap3A_515 {add = true, strides = array<i32>} : memref<16x2048xf32, #tpu.memory_space<vmem>>, vector<1x16xf32>,
          %add3A_516 = arith.constant 4 : i32
          %add3A_517 = arith.addi %add3A_516, %add3A_306 : i32
          %add3A_518 = arith.constant 64 : i32
          %add3A_519 = arith.addi %add3A_316, %add3A_518 : i32
          %swap3A_520 = arith.index_cast %add3A_517 : i32 to index
          %swap3A_521 = arith.index_cast %add3A_519 : i32 to index
          %swap3A_522 = tpu.vector_load %arg10[%swap3A_520, %swap3A_521] {strides = array<i32>} : memref<16x2048xf32, #tpu.memory_space<vmem>>, vector<1x16xf32>,
          %swap3A_523 = vector.shape_cast %swap3A_522 : vector<1x16xf32> to vector<16xf32>
          %swap3A_524 = vector.shape_cast %get3A_345 : vector<16xf32> to vector<1x16xf32>
          tpu.vector_store %arg10[%swap3A_520, %swap3A_521], %swap3A_524 {add = true, strides = array<i32>} : memref<16x2048xf32, #tpu.memory_space<vmem>>, vector<1x16xf32>,
          %add3A_525 = arith.constant 8 : i32
          %add3A_526 = arith.addi %add3A_525, %add3A_306 : i32
          %add3A_527 = arith.constant 64 : i32
          %add3A_528 = arith.addi %add3A_316, %add3A_527 : i32
          %swap3A_529 = arith.index_cast %add3A_526 : i32 to index
          %swap3A_530 = arith.index_cast %add3A_528 : i32 to index
          %swap3A_531 = tpu.vector_load %arg10[%swap3A_529, %swap3A_530] {strides = array<i32>} : memref<16x2048xf32, #tpu.memory_space<vmem>>, vector<1x16xf32>,
          %swap3A_532 = vector.shape_cast %swap3A_531 : vector<1x16xf32> to vector<16xf32>
          %swap3A_533 = vector.shape_cast %get3A_345 : vector<16xf32> to vector<1x16xf32>
          tpu.vector_store %arg10[%swap3A_529, %swap3A_530], %swap3A_533 {add = true, strides = array<i32>} : memref<16x2048xf32, #tpu.memory_space<vmem>>, vector<1x16xf32>,
          %add3A_534 = arith.constant 12 : i32
          %add3A_535 = arith.addi %add3A_534, %add3A_306 : i32
          %add3A_536 = arith.constant 64 : i32
          %add3A_537 = arith.addi %add3A_316, %add3A_536 : i32
          %swap3A_538 = arith.index_cast %add3A_535 : i32 to index
          %swap3A_539 = arith.index_cast %add3A_537 : i32 to index
          %swap3A_540 = tpu.vector_load %arg10[%swap3A_538, %swap3A_539] {strides = array<i32>} : memref<16x2048xf32, #tpu.memory_space<vmem>>, vector<1x16xf32>,
          %swap3A_541 = vector.shape_cast %swap3A_540 : vector<1x16xf32> to vector<16xf32>
          %swap3A_542 = vector.shape_cast %get3A_345 : vector<16xf32> to vector<1x16xf32>
          tpu.vector_store %arg10[%swap3A_538, %swap3A_539], %swap3A_542 {add = true, strides = array<i32>} : memref<16x2048xf32, #tpu.memory_space<vmem>>, vector<1x16xf32>,
          %add3A_543 = arith.constant 0 : i32
          %add3A_544 = arith.addi %add3A_543, %add3A_306 : i32
          %add3A_545 = arith.constant 80 : i32
          %add3A_546 = arith.addi %add3A_316, %add3A_545 : i32
          %swap3A_547 = arith.index_cast %add3A_544 : i32 to index
          %swap3A_548 = arith.index_cast %add3A_546 : i32 to index
          %swap3A_549 = tpu.vector_load %arg10[%swap3A_547, %swap3A_548] {strides = array<i32>} : memref<16x2048xf32, #tpu.memory_space<vmem>>, vector<1x16xf32>,
          %swap3A_550 = vector.shape_cast %swap3A_549 : vector<1x16xf32> to vector<16xf32>
          %swap3A_551 = vector.shape_cast %get3A_351 : vector<16xf32> to vector<1x16xf32>
          tpu.vector_store %arg10[%swap3A_547, %swap3A_548], %swap3A_551 {add = true, strides = array<i32>} : memref<16x2048xf32, #tpu.memory_space<vmem>>, vector<1x16xf32>,
          %add3A_552 = arith.constant 4 : i32
          %add3A_553 = arith.addi %add3A_552, %add3A_306 : i32
          %add3A_554 = arith.constant 80 : i32
          %add3A_555 = arith.addi %add3A_316, %add3A_554 : i32
          %swap3A_556 = arith.index_cast %add3A_553 : i32 to index
          %swap3A_557 = arith.index_cast %add3A_555 : i32 to index
          %swap3A_558 = tpu.vector_load %arg10[%swap3A_556, %swap3A_557] {strides = array<i32>} : memref<16x2048xf32, #tpu.memory_space<vmem>>, vector<1x16xf32>,
          %swap3A_559 = vector.shape_cast %swap3A_558 : vector<1x16xf32> to vector<16xf32>
          %swap3A_560 = vector.shape_cast %get3A_351 : vector<16xf32> to vector<1x16xf32>
          tpu.vector_store %arg10[%swap3A_556, %swap3A_557], %swap3A_560 {add = true, strides = array<i32>} : memref<16x2048xf32, #tpu.memory_space<vmem>>, vector<1x16xf32>,
          %add3A_561 = arith.constant 8 : i32
          %add3A_562 = arith.addi %add3A_561, %add3A_306 : i32
          %add3A_563 = arith.constant 80 : i32
          %add3A_564 = arith.addi %add3A_316, %add3A_563 : i32
          %swap3A_565 = arith.index_cast %add3A_562 : i32 to index
          %swap3A_566 = arith.index_cast %add3A_564 : i32 to index
          %swap3A_567 = tpu.vector_load %arg10[%swap3A_565, %swap3A_566] {strides = array<i32>} : memref<16x2048xf32, #tpu.memory_space<vmem>>, vector<1x16xf32>,
          %swap3A_568 = vector.shape_cast %swap3A_567 : vector<1x16xf32> to vector<16xf32>
          %swap3A_569 = vector.shape_cast %get3A_351 : vector<16xf32> to vector<1x16xf32>
          tpu.vector_store %arg10[%swap3A_565, %swap3A_566], %swap3A_569 {add = true, strides = array<i32>} : memref<16x2048xf32, #tpu.memory_space<vmem>>, vector<1x16xf32>,
          %add3A_570 = arith.constant 12 : i32
          %add3A_571 = arith.addi %add3A_570, %add3A_306 : i32
          %add3A_572 = arith.constant 80 : i32
          %add3A_573 = arith.addi %add3A_316, %add3A_572 : i32
          %swap3A_574 = arith.index_cast %add3A_571 : i32 to index
          %swap3A_575 = arith.index_cast %add3A_573 : i32 to index
          %swap3A_576 = tpu.vector_load %arg10[%swap3A_574, %swap3A_575] {strides = array<i32>} : memref<16x2048xf32, #tpu.memory_space<vmem>>, vector<1x16xf32>,
          %swap3A_577 = vector.shape_cast %swap3A_576 : vector<1x16xf32> to vector<16xf32>
          %swap3A_578 = vector.shape_cast %get3A_351 : vector<16xf32> to vector<1x16xf32>
          tpu.vector_store %arg10[%swap3A_574, %swap3A_575], %swap3A_578 {add = true, strides = array<i32>} : memref<16x2048xf32, #tpu.memory_space<vmem>>, vector<1x16xf32>,
          %add3A_579 = arith.constant 0 : i32
          %add3A_580 = arith.addi %add3A_579, %add3A_306 : i32
          %add3A_581 = arith.constant 96 : i32
          %add3A_582 = arith.addi %add3A_316, %add3A_581 : i32
          %swap3A_583 = arith.index_cast %add3A_580 : i32 to index
          %swap3A_584 = arith.index_cast %add3A_582 : i32 to index
          %swap3A_585 = tpu.vector_load %arg10[%swap3A_583, %swap3A_584] {strides = array<i32>} : memref<16x2048xf32, #tpu.memory_space<vmem>>, vector<1x16xf32>,
          %swap3A_586 = vector.shape_cast %swap3A_585 : vector<1x16xf32> to vector<16xf32>
          %swap3A_587 = vector.shape_cast %get3A_357 : vector<16xf32> to vector<1x16xf32>
          tpu.vector_store %arg10[%swap3A_583, %swap3A_584], %swap3A_587 {add = true, strides = array<i32>} : memref<16x2048xf32, #tpu.memory_space<vmem>>, vector<1x16xf32>,
          %add3A_588 = arith.constant 4 : i32
          %add3A_589 = arith.addi %add3A_588, %add3A_306 : i32
          %add3A_590 = arith.constant 96 : i32
          %add3A_591 = arith.addi %add3A_316, %add3A_590 : i32
          %swap3A_592 = arith.index_cast %add3A_589 : i32 to index
          %swap3A_593 = arith.index_cast %add3A_591 : i32 to index
          %swap3A_594 = tpu.vector_load %arg10[%swap3A_592, %swap3A_593] {strides = array<i32>} : memref<16x2048xf32, #tpu.memory_space<vmem>>, vector<1x16xf32>,
          %swap3A_595 = vector.shape_cast %swap3A_594 : vector<1x16xf32> to vector<16xf32>
          %swap3A_596 = vector.shape_cast %get3A_357 : vector<16xf32> to vector<1x16xf32>
          tpu.vector_store %arg10[%swap3A_592, %swap3A_593], %swap3A_596 {add = true, strides = array<i32>} : memref<16x2048xf32, #tpu.memory_space<vmem>>, vector<1x16xf32>,
          %add3A_597 = arith.constant 8 : i32
          %add3A_598 = arith.addi %add3A_597, %add3A_306 : i32
          %add3A_599 = arith.constant 96 : i32
          %add3A_600 = arith.addi %add3A_316, %add3A_599 : i32
          %swap3A_601 = arith.index_cast %add3A_598 : i32 to index
          %swap3A_602 = arith.index_cast %add3A_600 : i32 to index
          %swap3A_603 = tpu.vector_load %arg10[%swap3A_601, %swap3A_602] {strides = array<i32>} : memref<16x2048xf32, #tpu.memory_space<vmem>>, vector<1x16xf32>,
          %swap3A_604 = vector.shape_cast %swap3A_603 : vector<1x16xf32> to vector<16xf32>
          %swap3A_605 = vector.shape_cast %get3A_357 : vector<16xf32> to vector<1x16xf32>
          tpu.vector_store %arg10[%swap3A_601, %swap3A_602], %swap3A_605 {add = true, strides = array<i32>} : memref<16x2048xf32, #tpu.memory_space<vmem>>, vector<1x16xf32>,
          %add3A_606 = arith.constant 12 : i32
          %add3A_607 = arith.addi %add3A_606, %add3A_306 : i32
          %add3A_608 = arith.constant 96 : i32
          %add3A_609 = arith.addi %add3A_316, %add3A_608 : i32
          %swap3A_610 = arith.index_cast %add3A_607 : i32 to index
          %swap3A_611 = arith.index_cast %add3A_609 : i32 to index
          %swap3A_612 = tpu.vector_load %arg10[%swap3A_610, %swap3A_611] {strides = array<i32>} : memref<16x2048xf32, #tpu.memory_space<vmem>>, vector<1x16xf32>,
          %swap3A_613 = vector.shape_cast %swap3A_612 : vector<1x16xf32> to vector<16xf32>
          %swap3A_614 = vector.shape_cast %get3A_357 : vector<16xf32> to vector<1x16xf32>
          tpu.vector_store %arg10[%swap3A_610, %swap3A_611], %swap3A_614 {add = true, strides = array<i32>} : memref<16x2048xf32, #tpu.memory_space<vmem>>, vector<1x16xf32>,
          %add3A_615 = arith.constant 0 : i32
          %add3A_616 = arith.addi %add3A_615, %add3A_306 : i32
          %add3A_617 = arith.constant 112 : i32
          %add3A_618 = arith.addi %add3A_316, %add3A_617 : i32
          %swap3A_619 = arith.index_cast %add3A_616 : i32 to index
          %swap3A_620 = arith.index_cast %add3A_618 : i32 to index
          %swap3A_621 = tpu.vector_load %arg10[%swap3A_619, %swap3A_620] {strides = array<i32>} : memref<16x2048xf32, #tpu.memory_space<vmem>>, vector<1x16xf32>,
          %swap3A_622 = vector.shape_cast %swap3A_621 : vector<1x16xf32> to vector<16xf32>
          %swap3A_623 = vector.shape_cast %get3A_363 : vector<16xf32> to vector<1x16xf32>
          tpu.vector_store %arg10[%swap3A_619, %swap3A_620], %swap3A_623 {add = true, strides = array<i32>} : memref<16x2048xf32, #tpu.memory_space<vmem>>, vector<1x16xf32>,
          %add3A_624 = arith.constant 4 : i32
          %add3A_625 = arith.addi %add3A_624, %add3A_306 : i32
          %add3A_626 = arith.constant 112 : i32
          %add3A_627 = arith.addi %add3A_316, %add3A_626 : i32
          %swap3A_628 = arith.index_cast %add3A_625 : i32 to index
          %swap3A_629 = arith.index_cast %add3A_627 : i32 to index
          %swap3A_630 = tpu.vector_load %arg10[%swap3A_628, %swap3A_629] {strides = array<i32>} : memref<16x2048xf32, #tpu.memory_space<vmem>>, vector<1x16xf32>,
          %swap3A_631 = vector.shape_cast %swap3A_630 : vector<1x16xf32> to vector<16xf32>
          %swap3A_632 = vector.shape_cast %get3A_363 : vector<16xf32> to vector<1x16xf32>
          tpu.vector_store %arg10[%swap3A_628, %swap3A_629], %swap3A_632 {add = true, strides = array<i32>} : memref<16x2048xf32, #tpu.memory_space<vmem>>, vector<1x16xf32>,
          %add3A_633 = arith.constant 8 : i32
          %add3A_634 = arith.addi %add3A_633, %add3A_306 : i32
          %add3A_635 = arith.constant 112 : i32
          %add3A_636 = arith.addi %add3A_316, %add3A_635 : i32
          %swap3A_637 = arith.index_cast %add3A_634 : i32 to index
          %swap3A_638 = arith.index_cast %add3A_636 : i32 to index
          %swap3A_639 = tpu.vector_load %arg10[%swap3A_637, %swap3A_638] {strides = array<i32>} : memref<16x2048xf32, #tpu.memory_space<vmem>>, vector<1x16xf32>,
          %swap3A_640 = vector.shape_cast %swap3A_639 : vector<1x16xf32> to vector<16xf32>
          %swap3A_641 = vector.shape_cast %get3A_363 : vector<16xf32> to vector<1x16xf32>
          tpu.vector_store %arg10[%swap3A_637, %swap3A_638], %swap3A_641 {add = true, strides = array<i32>} : memref<16x2048xf32, #tpu.memory_space<vmem>>, vector<1x16xf32>,
          %add3A_642 = arith.constant 12 : i32
          %add3A_643 = arith.addi %add3A_642, %add3A_306 : i32
          %add3A_644 = arith.constant 112 : i32
          %add3A_645 = arith.addi %add3A_316, %add3A_644 : i32
          %swap3A_646 = arith.index_cast %add3A_643 : i32 to index
          %swap3A_647 = arith.index_cast %add3A_645 : i32 to index
          %swap3A_648 = tpu.vector_load %arg10[%swap3A_646, %swap3A_647] {strides = array<i32>} : memref<16x2048xf32, #tpu.memory_space<vmem>>, vector<1x16xf32>,
          %swap3A_649 = vector.shape_cast %swap3A_648 : vector<1x16xf32> to vector<16xf32>
          %swap3A_650 = vector.shape_cast %get3A_363 : vector<16xf32> to vector<1x16xf32>
          tpu.vector_store %arg10[%swap3A_646, %swap3A_647], %swap3A_650 {add = true, strides = array<i32>} : memref<16x2048xf32, #tpu.memory_space<vmem>>, vector<1x16xf32>,
        }
        %scan3A_311 = arith.constant 16 : i32
      }
      %scan3A_242 = arith.constant 4 : i32
      %add3A_243 = arith.constant 0 : i32
      %add3A_244 = arith.addi %add3A_243, %mul3A_4 : i32
      %mul3A_245 = arith.constant 4 : i32
      %mul3A_246 = arith.muli %add3A_161, %mul3A_245 : i32
      %add3A_247 = arith.addi %add3A_244, %mul3A_246 : i32
      %dma_start3A_248 = arith.constant 0 : i32
      %dma_start3A_249 = arith.constant 0 : i32
      %dma_start3A_250 = tpu.memref_slice %arg10[%dma_start3A_248, %dma_start3A_249] : memref<16x2048xf32, #tpu.memory_space<vmem>> -> memref<4x2048xf32, #tpu.memory_space<vmem>>
      %dma_start3A_251 = tpu.memref_slice %arg5[%add3A_247, %mul3A_6] : memref<8192x4096xf32, #tpu.memory_space<hbm>> -> memref<4x2048xf32, #tpu.memory_space<hbm>>
      %dma_start3A_252 = tpu.memref_slice %arg5[%add3A_247, %mul3A_6] : memref<8192x4096xf32, #tpu.memory_space<hbm>> -> memref<4x2048xf32, #tpu.memory_space<hbm>>
      %dma_start3A_253 = arith.constant 0 : i32
      %dma_start3A_254 = arith.constant 0 : i32
      %dma_start3A_255 = tpu.memref_slice %arg10[%dma_start3A_253, %dma_start3A_254] : memref<16x2048xf32, #tpu.memory_space<vmem>> -> memref<4x2048xf32, #tpu.memory_space<vmem>>
      tpu.enqueue_dma source(%dma_start3A_255 : memref<4x2048xf32, #tpu.memory_space<vmem>>) target(%dma_start3A_252 : memref<4x2048xf32, #tpu.memory_space<hbm>>) target_semaphore(%arg17 : memref<!tpu.dma_semaphore, #tpu.memory_space<semaphore_mem>>)
      %add3A_256 = arith.constant 2048 : i32
      %add3A_257 = arith.addi %add3A_256, %mul3A_4 : i32
      %mul3A_258 = arith.constant 4 : i32
      %mul3A_259 = arith.muli %add3A_161, %mul3A_258 : i32
      %add3A_260 = arith.addi %add3A_257, %mul3A_259 : i32
      %dma_start3A_261 = arith.constant 4 : i32
      %dma_start3A_262 = arith.constant 0 : i32
      %dma_start3A_263 = tpu.memref_slice %arg10[%dma_start3A_261, %dma_start3A_262] : memref<16x2048xf32, #tpu.memory_space<vmem>> -> memref<4x2048xf32, #tpu.memory_space<vmem>>
      %dma_start3A_264 = tpu.memref_slice %arg5[%add3A_260, %mul3A_6] : memref<8192x4096xf32, #tpu.memory_space<hbm>> -> memref<4x2048xf32, #tpu.memory_space<hbm>>
      %dma_start3A_265 = tpu.memref_slice %arg5[%add3A_260, %mul3A_6] : memref<8192x4096xf32, #tpu.memory_space<hbm>> -> memref<4x2048xf32, #tpu.memory_space<hbm>>
      %dma_start3A_266 = arith.constant 4 : i32
      %dma_start3A_267 = arith.constant 0 : i32
      %dma_start3A_268 = tpu.memref_slice %arg10[%dma_start3A_266, %dma_start3A_267] : memref<16x2048xf32, #tpu.memory_space<vmem>> -> memref<4x2048xf32, #tpu.memory_space<vmem>>
      tpu.enqueue_dma source(%dma_start3A_268 : memref<4x2048xf32, #tpu.memory_space<vmem>>) target(%dma_start3A_265 : memref<4x2048xf32, #tpu.memory_space<hbm>>) target_semaphore(%arg18 : memref<!tpu.dma_semaphore, #tpu.memory_space<semaphore_mem>>)
      %add3A_269 = arith.constant 4096 : i32
      %add3A_270 = arith.addi %add3A_269, %mul3A_4 : i32
      %mul3A_271 = arith.constant 4 : i32
      %mul3A_272 = arith.muli %add3A_161, %mul3A_271 : i32
      %add3A_273 = arith.addi %add3A_270, %mul3A_272 : i32
      %dma_start3A_274 = arith.constant 8 : i32
      %dma_start3A_275 = arith.constant 0 : i32
      %dma_start3A_276 = tpu.memref_slice %arg10[%dma_start3A_274, %dma_start3A_275] : memref<16x2048xf32, #tpu.memory_space<vmem>> -> memref<4x2048xf32, #tpu.memory_space<vmem>>
      %dma_start3A_277 = tpu.memref_slice %arg5[%add3A_273, %mul3A_6] : memref<8192x4096xf32, #tpu.memory_space<hbm>> -> memref<4x2048xf32, #tpu.memory_space<hbm>>
      %dma_start3A_278 = tpu.memref_slice %arg5[%add3A_273, %mul3A_6] : memref<8192x4096xf32, #tpu.memory_space<hbm>> -> memref<4x2048xf32, #tpu.memory_space<hbm>>
      %dma_start3A_279 = arith.constant 8 : i32
      %dma_start3A_280 = arith.constant 0 : i32
      %dma_start3A_281 = tpu.memref_slice %arg10[%dma_start3A_279, %dma_start3A_280] : memref<16x2048xf32, #tpu.memory_space<vmem>> -> memref<4x2048xf32, #tpu.memory_space<vmem>>
      tpu.enqueue_dma source(%dma_start3A_281 : memref<4x2048xf32, #tpu.memory_space<vmem>>) target(%dma_start3A_278 : memref<4x2048xf32, #tpu.memory_space<hbm>>) target_semaphore(%arg19 : memref<!tpu.dma_semaphore, #tpu.memory_space<semaphore_mem>>)
      %add3A_282 = arith.constant 6144 : i32
      %add3A_283 = arith.addi %add3A_282, %mul3A_4 : i32
      %mul3A_284 = arith.constant 4 : i32
      %mul3A_285 = arith.muli %add3A_161, %mul3A_284 : i32
      %add3A_286 = arith.addi %add3A_283, %mul3A_285 : i32
      %dma_start3A_287 = arith.constant 12 : i32
      %dma_start3A_288 = arith.constant 0 : i32
      %dma_start3A_289 = tpu.memref_slice %arg10[%dma_start3A_287, %dma_start3A_288] : memref<16x2048xf32, #tpu.memory_space<vmem>> -> memref<4x2048xf32, #tpu.memory_space<vmem>>
      %dma_start3A_290 = tpu.memref_slice %arg5[%add3A_286, %mul3A_6] : memref<8192x4096xf32, #tpu.memory_space<hbm>> -> memref<4x2048xf32, #tpu.memory_space<hbm>>
      %dma_start3A_291 = tpu.memref_slice %arg5[%add3A_286, %mul3A_6] : memref<8192x4096xf32, #tpu.memory_space<hbm>> -> memref<4x2048xf32, #tpu.memory_space<hbm>>
      %dma_start3A_292 = arith.constant 12 : i32
      %dma_start3A_293 = arith.constant 0 : i32
      %dma_start3A_294 = tpu.memref_slice %arg10[%dma_start3A_292, %dma_start3A_293] : memref<16x2048xf32, #tpu.memory_space<vmem>> -> memref<4x2048xf32, #tpu.memory_space<vmem>>
      tpu.enqueue_dma source(%dma_start3A_294 : memref<4x2048xf32, #tpu.memory_space<vmem>>) target(%dma_start3A_291 : memref<4x2048xf32, #tpu.memory_space<hbm>>) target_semaphore(%arg20 : memref<!tpu.dma_semaphore, #tpu.memory_space<semaphore_mem>>)
      %add3A_295 = arith.constant 3 : i32
      %add3A_296 = arith.addi %add3A_77, %add3A_295 : i32
      %lt3A_297 = arith.constant 32 : i32
      %lt3A_298 = arith.cmpi slt, %add3A_296, %lt3A_297 : i32
      %convert_element_type3A_299 = arith.extui %lt3A_298 : i1 to i32
      %cond3A_300 = arith.constant 0 : i32
      %cond3A_301 = arith.cmpi ne, %convert_element_type3A_299, %cond3A_300 : i32
      scf.if %cond3A_301 {
        %add3A_302 = arith.constant 3 : i32
        %add3A_303 = arith.addi %add3A_77, %add3A_302 : i32
        %mul3A_304 = arith.constant 4 : i32
        %mul3A_305 = arith.muli %add3A_303, %mul3A_304 : i32
        %add3A_306 = arith.addi %mul3A_4, %mul3A_305 : i32
        %dma_start3A_307 = tpu.memref_slice %arg4[%add3A_306, %mul3A_6] : memref<2048x4096xf32, #tpu.memory_space<hbm>> -> memref<4x2048xf32, #tpu.memory_space<hbm>>
        %dma_start3A_308 = tpu.memref_slice %arg4[%add3A_306, %mul3A_6] : memref<2048x4096xf32, #tpu.memory_space<hbm>> -> memref<4x2048xf32, #tpu.memory_space<hbm>>
        tpu.enqueue_dma source(%dma_start3A_308 : memref<4x2048xf32, #tpu.memory_space<hbm>>) target(%arg8 : memref<4x2048xf32, #tpu.memory_space<vmem>>) target_semaphore(%arg22 : memref<!tpu.dma_semaphore, #tpu.memory_space<semaphore_mem>>)
      } else {
      }
    }
    %scan3A_25 = arith.constant 16 : i32
    %add3A_26 = arith.constant 0 : i32
    %add3A_27 = arith.addi %add3A_26, %mul3A_4 : i32
    %add3A_28 = arith.constant 124 : i32
    %add3A_29 = arith.addi %add3A_27, %add3A_28 : i32
    %dma_wait3A = arith.constant 0 : i32
    %dma_wait3A_30 = arith.constant 0 : i32
    %dma_wait3A_31 = tpu.memref_slice %arg10[%dma_wait3A, %dma_wait3A_30] : memref<16x2048xf32, #tpu.memory_space<vmem>> -> memref<4x2048xf32, #tpu.memory_space<vmem>>
    %dma_wait3A_32 = tpu.memref_slice %arg5[%add3A_29, %mul3A_6] : memref<8192x4096xf32, #tpu.memory_space<hbm>> -> memref<4x2048xf32, #tpu.memory_space<hbm>>
    %dma_wait3A_33 = tpu.memref_slice %arg5[%add3A_29, %mul3A_6] : memref<8192x4096xf32, #tpu.memory_space<hbm>> -> memref<4x2048xf32, #tpu.memory_space<hbm>>
    %dma_wait3A_34 = arith.constant 0 : i32
    %dma_wait3A_35 = arith.constant 0 : i32
    %dma_wait3A_36 = tpu.memref_slice %arg10[%dma_wait3A_34, %dma_wait3A_35] : memref<16x2048xf32, #tpu.memory_space<vmem>> -> memref<4x2048xf32, #tpu.memory_space<vmem>>
    tpu.wait_dma2 semaphore(%arg17 : memref<!tpu.dma_semaphore, #tpu.memory_space<semaphore_mem>>) src(%dma_wait3A_36 : memref<4x2048xf32, #tpu.memory_space<vmem>>) dst(%dma_wait3A_33 : memref<4x2048xf32, #tpu.memory_space<hbm>>)
    %add3A_37 = arith.constant 2048 : i32
    %add3A_38 = arith.addi %add3A_37, %mul3A_4 : i32
    %add3A_39 = arith.constant 124 : i32
    %add3A_40 = arith.addi %add3A_38, %add3A_39 : i32
    %dma_wait3A_41 = arith.constant 4 : i32
    %dma_wait3A_42 = arith.constant 0 : i32
    %dma_wait3A_43 = tpu.memref_slice %arg10[%dma_wait3A_41, %dma_wait3A_42] : memref<16x2048xf32, #tpu.memory_space<vmem>> -> memref<4x2048xf32, #tpu.memory_space<vmem>>
    %dma_wait3A_44 = tpu.memref_slice %arg5[%add3A_40, %mul3A_6] : memref<8192x4096xf32, #tpu.memory_space<hbm>> -> memref<4x2048xf32, #tpu.memory_space<hbm>>
    %dma_wait3A_45 = tpu.memref_slice %arg5[%add3A_40, %mul3A_6] : memref<8192x4096xf32, #tpu.memory_space<hbm>> -> memref<4x2048xf32, #tpu.memory_space<hbm>>
    %dma_wait3A_46 = arith.constant 4 : i32
    %dma_wait3A_47 = arith.constant 0 : i32
    %dma_wait3A_48 = tpu.memref_slice %arg10[%dma_wait3A_46, %dma_wait3A_47] : memref<16x2048xf32, #tpu.memory_space<vmem>> -> memref<4x2048xf32, #tpu.memory_space<vmem>>
    tpu.wait_dma2 semaphore(%arg18 : memref<!tpu.dma_semaphore, #tpu.memory_space<semaphore_mem>>) src(%dma_wait3A_48 : memref<4x2048xf32, #tpu.memory_space<vmem>>) dst(%dma_wait3A_45 : memref<4x2048xf32, #tpu.memory_space<hbm>>)
    %add3A_49 = arith.constant 4096 : i32
    %add3A_50 = arith.addi %add3A_49, %mul3A_4 : i32
    %add3A_51 = arith.constant 124 : i32
    %add3A_52 = arith.addi %add3A_50, %add3A_51 : i32
    %dma_wait3A_53 = arith.constant 8 : i32
    %dma_wait3A_54 = arith.constant 0 : i32
    %dma_wait3A_55 = tpu.memref_slice %arg10[%dma_wait3A_53, %dma_wait3A_54] : memref<16x2048xf32, #tpu.memory_space<vmem>> -> memref<4x2048xf32, #tpu.memory_space<vmem>>
    %dma_wait3A_56 = tpu.memref_slice %arg5[%add3A_52, %mul3A_6] : memref<8192x4096xf32, #tpu.memory_space<hbm>> -> memref<4x2048xf32, #tpu.memory_space<hbm>>
    %dma_wait3A_57 = tpu.memref_slice %arg5[%add3A_52, %mul3A_6] : memref<8192x4096xf32, #tpu.memory_space<hbm>> -> memref<4x2048xf32, #tpu.memory_space<hbm>>
    %dma_wait3A_58 = arith.constant 8 : i32
    %dma_wait3A_59 = arith.constant 0 : i32
    %dma_wait3A_60 = tpu.memref_slice %arg10[%dma_wait3A_58, %dma_wait3A_59] : memref<16x2048xf32, #tpu.memory_space<vmem>> -> memref<4x2048xf32, #tpu.memory_space<vmem>>
    tpu.wait_dma2 semaphore(%arg19 : memref<!tpu.dma_semaphore, #tpu.memory_space<semaphore_mem>>) src(%dma_wait3A_60 : memref<4x2048xf32, #tpu.memory_space<vmem>>) dst(%dma_wait3A_57 : memref<4x2048xf32, #tpu.memory_space<hbm>>)
    %add3A_61 = arith.constant 6144 : i32
    %add3A_62 = arith.addi %add3A_61, %mul3A_4 : i32
    %add3A_63 = arith.constant 124 : i32
    %add3A_64 = arith.addi %add3A_62, %add3A_63 : i32
    %dma_wait3A_65 = arith.constant 12 : i32
    %dma_wait3A_66 = arith.constant 0 : i32
    %dma_wait3A_67 = tpu.memref_slice %arg10[%dma_wait3A_65, %dma_wait3A_66] : memref<16x2048xf32, #tpu.memory_space<vmem>> -> memref<4x2048xf32, #tpu.memory_space<vmem>>
    %dma_wait3A_68 = tpu.memref_slice %arg5[%add3A_64, %mul3A_6] : memref<8192x4096xf32, #tpu.memory_space<hbm>> -> memref<4x2048xf32, #tpu.memory_space<hbm>>
    %dma_wait3A_69 = tpu.memref_slice %arg5[%add3A_64, %mul3A_6] : memref<8192x4096xf32, #tpu.memory_space<hbm>> -> memref<4x2048xf32, #tpu.memory_space<hbm>>
    %dma_wait3A_70 = arith.constant 12 : i32
    %dma_wait3A_71 = arith.constant 0 : i32
    %dma_wait3A_72 = tpu.memref_slice %arg10[%dma_wait3A_70, %dma_wait3A_71] : memref<16x2048xf32, #tpu.memory_space<vmem>> -> memref<4x2048xf32, #tpu.memory_space<vmem>>
    tpu.wait_dma2 semaphore(%arg20 : memref<!tpu.dma_semaphore, #tpu.memory_space<semaphore_mem>>) src(%dma_wait3A_72 : memref<4x2048xf32, #tpu.memory_space<vmem>>) dst(%dma_wait3A_69 : memref<4x2048xf32, #tpu.memory_space<hbm>>)
    return
  }
}

</mosaic_0001>

<sc_bundles>
// kernel: _emb.3.cloned.1.call-start
scs
__scs_entry_jumppad:
0x0: {  	(pc) =	sbr.rel $0x88, $3  }
0x1: {  	(tag) =	ssettag $0x0;
	lr =	simm.s32 $0x1  }
0x2: {  	[smem:$0x3F9E] =	sst lr;
	_ =	strace $0xD0000000  }
0x3: {  	_ = 	snop  }
0x4: {  	_ = 	snop  }
0x5: {  	_ = 	snop  }
0x6: {  	_ = 	snop  }
0x7: {  	_ = 	snop  }
__scs_overlays_trampoline_lowered:
0x8: {  	[smem:$0x3FAD] =	sst s0  }
0x9: {  	[smem:$0x3FAE] =	sst s1  }
0xa: {  	[smem:$0x3FAF] =	sst s2  }
0xb: {  	[smem:$0x3FB0] =	sst s3  }
0xc: {  	[smem:$0x3FB1] =	sst s4  }
0xd: {  	[smem:$0x3FB2] =	sst s5  }
0xe: {  	[smem:$0x3FB3] =	sst s6  }
0xf: {  	[smem:$0x3FB4] =	sst s7  }
0x10: {  	[smem:$0x3FB5] =	sst s8  }
0x11: {  	[smem:$0x3FB6] =	sst s9;
	s0 =	simm.s32 @!p0 $0x0  }
0x12: {  	s1 =	sld [smem:$0x3F9C];
	s0 =	simm.s32 @p0 $0x1  }
0x13: {  	[smem:$0x3FB7] =	sst s0;
	s0 =	simm.s32 @!p1 $0x0  }
0x14: {  	s2 =	sld [smem:$0x3F9B];
	s0 =	simm.s32 @p1 $0x1  }
0x15: {  	[smem:$0x3FB8] =	sst s0;
	s0 =	simm.s32 @!p2 $0x0  }
0x16: {  	s3 =	sld [smem:$0x3FDB];
	s0 =	simm.s32 @p2 $0x1  }
0x17: {  	s4 =	simm.s32 $0x1BF5;
	[smem:$0x3FBA] =	sst s0  }
0x18: {  	s0 =	sld [smem:$0x3F9D];
	_ =	swait.ge [sflag:s4], $0x0  }
0x19: {  	s7 =	sld [smem:$0x3F9E]  }
0x1a: {  	s8 =	sadd.s32 $0xFFFFE003, lr  }
0x1b: {  	s9 =	sadd.s32 $0xFFFFFEF7, lr;
	s5 =	simm.s32 $0xFFFFFFFF;
	p2 =	slt.u32 s8, $0xFFFFF086  }
0x1c: {  	p1 =	slt.u32 s9, $0xF7A;
	s5 =	simm.s32 @!p2 $0x0  }
0x1d: {  	s5 =	simm.s32 @p1 $0x1;
	p0 =	seq.s32 s7, s2  }
0x1e: {  	s7 =	smul.u32 @!p0 $0xF7A, s2;
	p2 =	seq.s32 @!p0 s5, $0x0  }
0x1f: {  	s9 =	smul.u32 $0xF7A, s1;
	s8 =	simm.s32 @!p0 $0x1BF5;
	p2 =	por !p2, p0  }
0x20: {  	[sflag:s8] =	ssyncset.s32 @!p0 $0xFFFFF086;
	s6 =	sadd.s32 @!p0 s3, s7;
	s7 =	simm.s32 @!p0 $0x108  }
0x21: {  	s3 =	sadd.s32 s3, s9;
	s6 =	sadd.s32 @!p0 $0x88, s6;
	s7 =	simm.s32 @p2 $0x1082  }
0x22: {  	[simem:s7], [sflag:s8] =	dma.local @!p0 [hbm:s6], $0xF7A  }
0x23: {  	s9 =	sor.u32 $0xD0000000, s2;
	s6 =	simm.s32 $0x108;
	_ =	swait.ge @!p0 [sflag:s8], $0x0  }
0x24: {  	s3 =	sadd.s32 $0x88, s3;
	s6 =	simm.s32 @!p1 $0x1082;
	[sflag:s4] =	ssyncset.s32 $0xFFFFF086  }
0x25: {  	[simem:s6], [sflag:s4] =	dma.local [hbm:s3], $0xF7A  }
0x26: {  	[smem:$0x3F9E] =	sst s1;
	(tag) =	ssettag s2;
	_ =	strace s9  }
0x27: {  	s1 =	sld [smem:$0x3FAE]  }
0x28: {  	s2 =	sld [smem:$0x3FAF]  }
0x29: {  	s4 =	sld [smem:$0x3FB1]  }
0x2a: {  	p0 =	seq.s32 s5, $0x0;
	s5 =	sld [smem:$0x3FB2]  }
0x2b: {  	s6 =	sld [smem:$0x3FB3]  }
0x2c: {  	s7 =	sld [smem:$0x3FB4]  }
0x2d: {  	s3 =	simm.s32 $0x108;
	s8 =	sld [smem:$0x3FB5]  }
0x2e: {  	s3 =	simm.s32 @!p0 $0x1082;
	s9 =	sld [smem:$0x3FB6]  }
0x2f: {  	lr =	sadd.s32 s0, s3;
	s0 =	sld [smem:$0x3FAD]  }
0x30: {  	s3 =	sld [smem:$0x3FB0]  }
0x31: {  	[smem:$0x3FB9] =	sst s10  }
0x32: {  	s10 =	sld [smem:$0x3FB7];
	_ =	sdelay $0x3  }
0x33: {  	p0 =	seq.s32 s10, $0x1;
	s10 =	sld [smem:$0x3FB9];
	_ =	sdelay $0x3  }
0x34: {  	[smem:$0x3FB9] =	sst s10  }
0x35: {  	s10 =	sld [smem:$0x3FB8];
	_ =	sdelay $0x3  }
0x36: {  	p1 =	seq.s32 s10, $0x1;
	s10 =	sld [smem:$0x3FB9];
	_ =	sdelay $0x3  }
0x37: {  	[smem:$0x3FB9] =	sst s10  }
0x38: {  	s10 =	sld [smem:$0x3FBA]  }
0x39: {  	_ = 	snop;
	(pc) =	sbr.ind lr, $3  }
0x3a: {  	_ = 	snop  }
0x3b: {  	_ = 	snop  }
0x3c: {  	p2 =	seq.s32 s10, $0x1;
	s10 =	sld [smem:$0x3FB9]  }
0x3d: {  	_ =	shalt  }
0x3e: {  	_ =	shalt  }
0x3f: {  	_ =	shalt  }
0x40: {  	_ =	shalt  }
0x41: {  	_ =	shalt  }
0x42: {  	_ =	shalt  }
0x43: {  	_ =	shalt  }
0x44: {  	_ =	shalt  }
0x45: {  	_ =	shalt  }
0x46: {  	_ =	shalt  }
0x47: {  	_ =	shalt  }
0x48: {  	_ =	shalt  }
0x49: {  	_ =	shalt  }
0x4a: {  	_ =	shalt  }
0x4b: {  	_ =	shalt  }
0x4c: {  	_ =	shalt  }
0x4d: {  	_ =	shalt  }
0x4e: {  	_ =	shalt  }
0x4f: {  	_ =	shalt  }
0x50: {  	_ =	shalt  }
0x51: {  	_ =	shalt  }
0x52: {  	_ =	shalt  }
0x53: {  	_ =	shalt  }
0x54: {  	_ =	shalt  }
0x55: {  	_ =	shalt  }
0x56: {  	_ =	shalt  }
0x57: {  	_ =	shalt  }
0x58: {  	_ =	shalt  }
0x59: {  	_ =	shalt  }
0x5a: {  	_ =	shalt  }
0x5b: {  	_ =	shalt  }
0x5c: {  	_ =	shalt  }
0x5d: {  	_ =	shalt  }
0x5e: {  	_ =	shalt  }
0x5f: {  	_ =	shalt  }
0x60: {  	_ =	shalt  }
0x61: {  	_ =	shalt  }
0x62: {  	_ =	shalt  }
0x63: {  	_ =	shalt  }
0x64: {  	_ =	shalt  }
0x65: {  	_ =	shalt  }
0x66: {  	_ =	shalt  }
0x67: {  	_ =	shalt  }
0x68: {  	_ =	shalt  }
0x69: {  	_ =	shalt  }
0x6a: {  	_ =	shalt  }
0x6b: {  	_ =	shalt  }
0x6c: {  	_ =	shalt  }
0x6d: {  	_ =	shalt  }
0x6e: {  	_ =	shalt  }
0x6f: {  	_ =	shalt  }
0x70: {  	_ =	shalt  }
0x71: {  	_ =	shalt  }
0x72: {  	_ =	shalt  }
0x73: {  	_ =	shalt  }
0x74: {  	_ =	shalt  }
0x75: {  	_ =	shalt  }
0x76: {  	_ =	shalt  }
0x77: {  	_ =	shalt  }
0x78: {  	_ =	shalt  }
0x79: {  	_ =	shalt  }
0x7a: {  	_ =	shalt  }
0x7b: {  	_ =	shalt  }
0x7c: {  	_ =	shalt  }
0x7d: {  	_ =	shalt  }
0x7e: {  	_ =	shalt  }
0x7f: {  	_ =	shalt  }
0x80: {  	_ =	shalt  }
0x81: {  	_ =	shalt  }
0x82: {  	_ =	shalt  }
0x83: {  	_ =	shalt  }
0x84: {  	_ =	shalt  }
0x85: {  	_ =	shalt  }
0x86: {  	_ =	shalt  }
0x87: {  	_ =	shalt  }
.Lfunc_end0:
.L_simem_size_0:
called_computation_lowered:
.L_overlay_start_0:
0x88: {  	s2 =	sld [smem:$0x3FD9]  }
0x89: {  	s3 =	sld [smem:$0x3FFE];
	_ =	sdelay $0x1  }
0x8a: {  	s1 =	srdreg.scid  }
0x8b: {  	s0 =	sand.u32 $0x1, s1  }
0x8c: {  	s18 =	sshll.u32 s0, $0xA;
	s2 =	sadd.s32 s3, s2  }
0x8d: {  	s2 =	sadd.s32 s2, s18  }
0x8e: {  	[smem:$0x3FC5] =	sst s2  }
0x8f: {  	_ = 	snop  }
0x90: {  	s2 =	sld [smem:$0x3FC9]  }
0x91: {  	s19 =	sld [smem:$0x3FC8]  }
0x92: {  	s4 =	sld [smem:$0x3FC7]  }
0x93: {  	s5 =	sld [smem:$0x3FD0];
	(tm) =	ssettm $0x1  }
0x94: {  	s6 =	sld [smem:$0x3FFB];
	_ =	sdelay $0x3  }
0x95: {  	_ =	strace s6  }
0x96: {  	s6 =	sld [smem:$0x3FFC];
	_ =	sdelay $0x3  }
0x97: {  	_ =	strace s6  }
0x98: {  	s6 =	sld [smem:$0x3FFD];
	_ =	sdelay $0x3  }
0x99: {  	_ =	strace s6  }
0x9a: {  	_ =	strace $0x8FFFFFFF  }
0x9b: {  	s20 =	sld [smem:$0x3FDB];
	_ =	sdelay $0x1  }
0x9c: {  	s7 =	simm.s32 $_scs_section_size  }
0x9d: {  	s8 =	simm.s32 $_size__tile_overlayer_lowered;
	s9 =	simm.s32 $_tile_overlayer_lowered  }
0x9e: {  	s23 =	simm.s32 $0x1BFF;
	s22 =	sshll.u32 s9, $0x1;
	s6 =	sadd.s32 s7, s20  }
0x9f: {  	s10 =	simm.s32 $0x0;
	s21 =	sshll.u32 s8, $0x1;
	s8 =	sadd.s32 s22, s6  }
0xa0: {  	[timem:s10], [sflag:s23] =	dma.local [hbm:s8], s21  }
0xa1: {  	_ =	swait.ge [sflag:s23], s21  }
0xa2: {  	s7 =	ssub.s32 $0x0, s21;
	[sflag:s23] =	ssyncset.done $0x0  }
0xa3: {  	[sflag:s23] =	ssyncadd.s32 s7;
	_ =	sdelay $0x1  }
0xa4: {  	s24 =	simm.s32 $0x1B8B  }
0xa5: {  	_ =	swait.ge [sflag:s24], $0x1  }
0xa6: {  	[sflag:s24] =	ssyncset.done $0x0  }
0xa7: {  	s25 =	simm.s32 $0x1B8E;
	[sflag:s24] =	ssyncadd.s32 $0xFFFFFFFF  }
0xa8: {  	s26 =	simm.s32 $execute0_lowered;
	[smem:$0x3FD2] =	sst s25  }
0xa9: {  	s7 =	sshll.u32 s26, $0x1;
	_ =	strace $0x80000046;
	[dreg:$0x1] =	wrdreg $0xFFFFFFFF  }
0xaa: {  	s28 =	simm.s32 $_size_execute0_lowered;
	s6 =	sadd.s32 s6, s7;
	[dreg:$0x0] =	wrdreg $0x0  }
0xab: {  	s7 =	sshll.u32 s28, $0x1;
	[dreg:$0x2] =	wrdreg s6  }
0xac: {  	[dreg:$0x3] =	wrdreg s7  }
0xad: {  	[dreg:$0x4] =	wrdreg $0xC0  }
0xae: {  	_ =	task [dreg:s10], $0x5FFFF  }
0xaf: {  	[dreg:$0x1] =	wrdreg $0xFFFFFFFF  }
0xb0: {  	[dreg:$0x0] =	wrdreg $0x60  }
0xb1: {  	[dreg:$0x2] =	wrdreg s2  }
0xb2: {  	[dreg:$0x3] =	wrdreg s19  }
0xb3: {  	[dreg:$0x4] =	wrdreg s4  }
0xb4: {  	[dreg:$0x5] =	wrdreg s5  }
0xb5: {  	[dreg:$0x6] =	wrdreg $0x9  }
0xb6: {  	_ =	task.clear_ibuf [dreg:s10], $0x7FFFF;
	_ =	strace $0x90000046  }
0xb7: {  	s29 =	simm.s32 $0x9;
	_ =	strace $0x80000048  }
0xb8: {  	_ =	swait.ge [sflag:s29], $0x1  }
0xb9: {  	[sflag:s29] =	ssyncadd.s32 $0xFFFFFFFF  }
0xba: {  	_ =	strace $0x90000048  }
0xbb: {  	_ =	sfence  }
0xbc: {  	s30 =	sld [smem:$0x0];
	_ =	sdelay $0x2  }
0xbd: {  	s31 =	sshll.u32 s1, $0xD;
	s1 =	sshrl.u32 s1, $0x2  }
0xbe: {  	s3 =	sand.u32 $0x4000, s31;
	s1 =	sadd.s32 s1, s30  }
0xbf: {  	s0 =	sor.u32 s3, s0;
	s1 =	sshll.u32 s1, $0x11  }
0xc0: {  	s0 =	sor.u32 s1, s0  }
0xc1: {  	s0 =	sadd.s32 $0x8F2B, s0  }
0xc2: {  	[sflag:s0] =	ssyncadd.remote.s32 $0x1  }
0xc3: {  	_ =	sfence.sel $0xFFFF  }
0xc4: {  	[dreg:$0x0] =	wrdreg $0xFFFFFFFF;
	(pc) =	sbr.abs _section_cstart, $3  }
0xc5: {  	[dreg:$0x1] =	wrdreg $0xFFFFFFFF  }
0xc6: {  	_ =	task.clear_ibuf [dreg:s10], $0x2FFFF;
	_ =	strace $0x9FFFFFFF  }
0xc7: {  	(tm) =	ssettm $0x7FFFFFFF  }
tec
execute0_lowered:
.L_overlay_start_1:
0x0: {  	(tag) =	ssettag $0x1  }
0x1: {  	s0 =	rddreg [dreg:$0x0]  }
0x2: {  	s2 =	rddreg [dreg:$0x1]  }
0x3: {  	s1 =	srdreg.scid;
	s9 =	rddreg [dreg:$0x2]  }
0x4: {  	s5 =	stileid.u32;
	s3 =	rddreg [dreg:$0x3];
	s17 =	simm.s32 $0xC200  }
0x5: {  	s19 =	simm.s32 $0xCA00;
	s21 =	simm.s32 $0xD200;
	s22 =	simm.s32 $0xDA00  }
0x6: {  	s20 =	simm.s32 $0x5;
	s23 =	simm.s32 $0x6;
	s1 =	sand.u32 $0x1, s1  }
0x7: {  	s28 =	simm.s32 $0xC;
	s26 =	sadd.s32 $0x40, s9;
	s4 =	sshll.u32 s1, $0x4  }
0x8: {  	s16 =	sadd.s32 $0x40, s3;
	s1 =	ssub.s32 $0x2, s1;
	s4 =	sor.u32 s5, s4  }
0x9: {  	s5 =	sshll.u32 s5, $0xE;
	s25 =	sshrl.u32 s1, $0x1;
	s6 =	sshrl.u32 s4, $0x1  }
0xa: {  	s4 =	simm.s32 $0x0;
	s5 =	sand.u32 $0x4000, s5;
	s1 =	ssub.s32 s1, s25  }
0xb: {  	s25 =	simm.s32 $0x2;
	s7 =	sshll.u32 s6, $0x13;
	[smem:$0x7FF] =	sst s4  }
0xc: {  	s29 =	sshrl.u32 s5, $0x3;
	s31 =	smax.u32 s1, $0x1;
	s10 =	sor.u32 s5, s7  }
0xd: {  	_ =	strace $0x80000047;
	s7 =	sshll.u32 s6, $0x7;
	[dreg:$0x7] =	wrdreg s26  }
0xe: {  	s6 =	sshll.u32 s6, $0x6;
	s12 =	sadd.s32 s2, s29;
	[dreg:$0xb] =	wrdreg s31  }
0xf: {  	s2 =	simm.s32 $0x0;
	s8 =	sshrl.u32 s10, $0x3;
	s0 =	sadd.s32 s0, s6  }
.Ltmp0:
0x10: {  	s13 =	sor.u32 $0x800, s7;
	[dreg:$0x5] =	wrdreg s10;
	(pc) =	sbr.rel .LBB2_1-.Ltmp0, $4  }
0x11: {  	s14 =	sor.u32 $0x1000, s7;
	s30 =	sor.u32 $0x8000, s10;
	[dreg:$0x9] =	wrdreg s0  }
0x12: {  	v2 =	vlaneseq.u32;
	s15 =	sor.u32 $0x1800, s7;
	s11 =	sadd.s32 s9, s8;
	[dreg:$0xa] =	wrdreg s30  }
0x13: {  	vm0 =	vmmov $0xffff;
	v1 =	vshrl.u32 v2, $0x3;
	s24 =	sadd.s32 $0x100, s12;
	s8 =	sadd.s32 s8, s26;
	[dreg:$0x6] =	wrdreg s11  }
0x14: {  	v0 =	vand.u32 $0x7, v2;
	v2 =	vor.u32 $0x8, v2;
	v1 =	vmul.u32 $0x8, v1;
	s6 =	simm.s32 $0x4;
	s26 =	sadd.s32 $0x200, s12;
	[dreg:$0x8] =	wrdreg s8  }
.LBB2_12:
0x15: {  	s0 =	simm.s32 $0x7  }
0x16: {  	_ =	swait.ge [sflag:s0], $0x2000  }
0x17: {  	[sflag:s0] =	ssyncset.done $0x0  }
0x18: {  	s29 =	simm.s32 $0x8;
	[sflag:s0] =	ssyncadd.s32 $0xFFFFE000  }
0x19: {  	_ =	swait.ge [sflag:s29], $0x2000  }
0x1a: {  	[sflag:s29] =	ssyncset.done $0x0  }
0x1b: {  	s30 =	simm.s32 $0x9;
	[sflag:s29] =	ssyncadd.s32 $0xFFFFE000  }
0x1c: {  	_ =	swait.ge [sflag:s30], $0x2000  }
0x1d: {  	[sflag:s30] =	ssyncset.done $0x0  }
0x1e: {  	s1 =	simm.s32 $0xA;
	[sflag:s30] =	ssyncadd.s32 $0xFFFFE000  }
0x1f: {  	_ =	swait.ge [sflag:s1], $0x2000  }
0x20: {  	s2 =	rddreg [dreg:$0xc]  }
0x21: {  	s31 =	rddreg [dreg:$0xb];
	s2 =	sadd.s32 $0x1, s2  }
0x22: {  	p0 =	sne.s32 s2, s31  }
.Ltmp1:
0x23: {  	_ = 	snop;
	(pc) =	sbr.rel @!p0 .LBB2_13-.Ltmp1, $3  }
0x24: {  	_ =	sdelay $0x1  }
0x25: {  	[sflag:s1] =	ssyncset.done $0x0  }
0x26: {  	[sflag:s1] =	ssyncadd.s32 $0xFFFFE000  }
.LBB2_1:
0x27: {  	[dreg:$0xc] =	wrdreg s2  }
0x28: {  	s0 =	rddreg [dreg:$0x6];
	s1 =	simm.s32 $0x400;
	s11 =	simm.s32 $0x200  }
0x29: {  	[tilespmem:s11], [sflag:$0xB] =	stream.strided.gather [hbm4b:s0+s11], $0x2000, s1, s11, $0x38;
	[tilespmem:$0x14200] =	vst v63  }
0x2a: {  	s18 =	rddreg [dreg:$0x8];
	s8 =	simm.s32 $0x2200  }
0x2b: {  	[tilespmem:s8], [sflag:$0xC] =	stream.strided.gather [hbm4b:s18+s11], $0x2000, s1, s11, $0x38;
	[tilespmem:$0x14200] =	vst v63  }
0x2c: {  	s2 =	rddreg [dreg:$0x9];
	s8 =	simm.s32 $0xD  }
0x2d: {  	[tilespmem:s4], [sflag:$0xD] =	stream.linear.gather [hbm4b:s2+s4], $0x200, $0x38;
	[tilespmem:$0x14200] =	vst v63  }
0x2e: {  	_ =	swait.ge [sflag:s8], $0x200  }
0x2f: {  	[sflag:s8] =	ssyncset.done $0x0  }
0x30: {  	[sflag:s8] =	ssyncadd.s32 $0xFFFFFE00  }
0x31: {  	v3 =	vld [tilespmem:$0x0];
	_ =	sdelay $0x4  }
0x32: {  	v4 =	vshll.u32 v3, $0x5  }
0x33: {  	v3 =	vand.u32 $0x7, v3;
	v4 =	vand.u32 $0xFFFFFF00, v4  }
0x34: {  	v3 =	vor.u32 v3, v4  }
0x35: {  	v4 =	vperm.xlane v3, v0;
	_ =	sdelay $0x1  }
0x36: {  	v4 =	vadd.s32 v1, v4;
	_ =	sdelay $0x3  }
0x37: {  	s9 =	simm.s32 $0x4200  }
0x38: {  	[tilespmem:s9], [sflag:$0x1] =	stream.indirect_vreg.gather [hbm4b:s12+s4], $0x80, v4, vm0, $0xb8;
	[tilespmem:$0x14200] =	vst v63  }
0x39: {  	s10 =	simm.s32 $0x4A00  }
0x3a: {  	[tilespmem:s10], [sflag:$0x1] =	stream.indirect_vreg.gather [hbm4b:s24+s4], $0x80, v4, vm0, $0xb8;
	[tilespmem:$0x14200] =	vst v63  }
0x3b: {  	s11 =	simm.s32 $0x5200  }
0x3c: {  	[tilespmem:s11], [sflag:$0x1] =	stream.indirect_vreg.gather [hbm4b:s26+s4], $0x80, v4, vm0, $0xb8;
	[tilespmem:$0x14200] =	vst v63  }
0x3d: {  	s29 =	sadd.s32 $0x300, s12;
	s18 =	simm.s32 $0x5A00  }
0x3e: {  	[tilespmem:s18], [sflag:$0x1] =	stream.indirect_vreg.gather [hbm4b:s29+s4], $0x80, v4, vm0, $0xb8;
	[tilespmem:$0x14200] =	vst v63  }
0x3f: {  	s30 =	sadd.s32 $0x400, s12;
	s1 =	simm.s32 $0x6200  }
0x40: {  	[tilespmem:s1], [sflag:$0x1] =	stream.indirect_vreg.gather [hbm4b:s30+s4], $0x80, v4, vm0, $0xb8;
	[tilespmem:$0x14200] =	vst v63  }
0x41: {  	s31 =	sadd.s32 $0x500, s12;
	s2 =	simm.s32 $0x6A00;
	v3 =	vperm.xlane v3, v2  }
0x42: {  	[tilespmem:s2], [sflag:$0x1] =	stream.indirect_vreg.gather [hbm4b:s31+s4], $0x80, v4, vm0, $0xb8;
	[tilespmem:$0x14200] =	vst v63  }
0x43: {  	s8 =	simm.s32 $0x7200;
	v3 =	vadd.s32 v1, v3;
	s1 =	sadd.s32 $0x600, s12  }
0x44: {  	[tilespmem:s8], [sflag:$0x1] =	stream.indirect_vreg.gather [hbm4b:s1+s4], $0x80, v4, vm0, $0xb8;
	[tilespmem:$0x14200] =	vst v63  }
0x45: {  	s0 =	sadd.s32 $0x700, s12;
	s9 =	simm.s32 $0x7A00  }
0x46: {  	[tilespmem:s9], [sflag:$0x1] =	stream.indirect_vreg.gather [hbm4b:s0+s4], $0x80, v4, vm0, $0xb8;
	[tilespmem:$0x14200] =	vst v63  }
0x47: {  	s10 =	simm.s32 $0x8200  }
0x48: {  	[tilespmem:s10], [sflag:$0x1] =	stream.indirect_vreg.gather [hbm4b:s12+s4], $0x80, v3, vm0, $0xb8;
	[tilespmem:$0x14200] =	vst v63  }
0x49: {  	s11 =	simm.s32 $0x8A00  }
0x4a: {  	[tilespmem:s11], [sflag:$0x1] =	stream.indirect_vreg.gather [hbm4b:s24+s4], $0x80, v3, vm0, $0xb8;
	[tilespmem:$0x14200] =	vst v63  }
0x4b: {  	s18 =	simm.s32 $0x9200  }
0x4c: {  	[tilespmem:s18], [sflag:$0x1] =	stream.indirect_vreg.gather [hbm4b:s26+s4], $0x80, v3, vm0, $0xb8;
	[tilespmem:$0x14200] =	vst v63  }
0x4d: {  	s8 =	simm.s32 $0x9A00  }
0x4e: {  	[tilespmem:s8], [sflag:$0x1] =	stream.indirect_vreg.gather [hbm4b:s29+s4], $0x80, v3, vm0, $0xb8;
	[tilespmem:$0x14200] =	vst v63  }
0x4f: {  	s9 =	simm.s32 $0xA200  }
0x50: {  	[tilespmem:s9], [sflag:$0x1] =	stream.indirect_vreg.gather [hbm4b:s30+s4], $0x80, v3, vm0, $0xb8;
	[tilespmem:$0x14200] =	vst v63  }
0x51: {  	s10 =	simm.s32 $0xAA00  }
0x52: {  	[tilespmem:s10], [sflag:$0x1] =	stream.indirect_vreg.gather [hbm4b:s31+s4], $0x80, v3, vm0, $0xb8;
	[tilespmem:$0x14200] =	vst v63  }
0x53: {  	s11 =	simm.s32 $0xB200  }
0x54: {  	[tilespmem:s11], [sflag:$0x1] =	stream.indirect_vreg.gather [hbm4b:s1+s4], $0x80, v3, vm0, $0xb8;
	[tilespmem:$0x14200] =	vst v63  }
0x55: {  	s18 =	simm.s32 $0xBA00;
	s8 =	simm.s32 $0x0  }
0x56: {  	[tilespmem:s18], [sflag:$0x1] =	stream.indirect_vreg.gather [hbm4b:s0+s4], $0x80, v3, vm0, $0xb8;
	[tilespmem:$0x14200] =	vst v63  }
.LBB2_2:
0x57: {  	p0 =	seq.s32 s8, $0x0  }
0x58: {  	s2 =	simm.s32 @!p0 $0x7  }
0x59: {  	_ =	swait.ge @!p0 [sflag:s2], $0x2000  }
0x5a: {  	[sflag:s2] =	ssyncset.done @!p0 $0x0  }
0x5b: {  	[sflag:s2] =	ssyncadd.s32 @!p0 $0xFFFFE000;
	s2 =	simm.s32 @!p0 $0x8  }
0x5c: {  	_ =	swait.ge @!p0 [sflag:s2], $0x2000  }
0x5d: {  	[sflag:s2] =	ssyncset.done @!p0 $0x0  }
0x5e: {  	[sflag:s2] =	ssyncadd.s32 @!p0 $0xFFFFE000;
	s2 =	simm.s32 @!p0 $0x9  }
0x5f: {  	_ =	swait.ge @!p0 [sflag:s2], $0x2000  }
0x60: {  	[sflag:s2] =	ssyncset.done @!p0 $0x0  }
0x61: {  	s11 =	sshll.u32 s8, $0x1;
	[sflag:s2] =	ssyncadd.s32 @!p0 $0xFFFFE000;
	s2 =	simm.s32 @!p0 $0xA  }
0x62: {  	s10 =	sor.u32 $0x1, s11;
	_ =	swait.ge @!p0 [sflag:s2], $0x2000  }
0x63: {  	s9 =	sshll.u32 s10, $0x4;
	[sflag:s2] =	ssyncset.done @!p0 $0x0  }
0x64: {  	s9 =	sand.u32 $0x3FFFFFF0, s9;
	[sflag:s2] =	ssyncadd.s32 @!p0 $0xFFFFE000  }
0x65: {  	v3 =	vld [tilespmem:s9+$0x0];
	_ =	sdelay $0x4  }
0x66: {  	v4 =	vshll.u32 v3, $0x5  }
0x67: {  	v3 =	vand.u32 $0x7, v3;
	v4 =	vand.u32 $0xFFFFFF00, v4  }
0x68: {  	v3 =	vor.u32 v3, v4  }
0x69: {  	v4 =	vperm.xlane v3, v0;
	_ =	sdelay $0x1  }
0x6a: {  	v4 =	vadd.s32 v1, v4;
	_ =	sdelay $0x3  }
0x6b: {  	s18 =	simm.s32 $0x0  }
0x6c: {  	[tilespmem:s17], [sflag:$0x2] =	stream.indirect_vreg.gather [hbm4b:s12+s18], $0x80, v4, vm0, $0xb8;
	[tilespmem:$0x14200] =	vst v63  }
0x6d: {  	_ = 	snop  }
0x6e: {  	[tilespmem:s19], [sflag:$0x2] =	stream.indirect_vreg.gather [hbm4b:s24+s18], $0x80, v4, vm0, $0xb8;
	[tilespmem:$0x14200] =	vst v63  }
0x6f: {  	_ = 	snop  }
0x70: {  	[tilespmem:s21], [sflag:$0x2] =	stream.indirect_vreg.gather [hbm4b:s26+s18], $0x80, v4, vm0, $0xb8;
	[tilespmem:$0x14200] =	vst v63  }
0x71: {  	_ = 	snop  }
0x72: {  	[tilespmem:s22], [sflag:$0x2] =	stream.indirect_vreg.gather [hbm4b:s29+s18], $0x80, v4, vm0, $0xb8;
	[tilespmem:$0x14200] =	vst v63  }
0x73: {  	s17 =	simm.s32 $0xE200  }
0x74: {  	[tilespmem:s17], [sflag:$0x2] =	stream.indirect_vreg.gather [hbm4b:s30+s18], $0x80, v4, vm0, $0xb8;
	[tilespmem:$0x14200] =	vst v63  }
0x75: {  	v3 =	vperm.xlane v3, v2;
	s19 =	simm.s32 $0xEA00  }
0x76: {  	[tilespmem:s19], [sflag:$0x2] =	stream.indirect_vreg.gather [hbm4b:s31+s18], $0x80, v4, vm0, $0xb8;
	[tilespmem:$0x14200] =	vst v63  }
0x77: {  	v3 =	vadd.s32 v1, v3;
	s21 =	simm.s32 $0xF200  }
0x78: {  	[tilespmem:s21], [sflag:$0x2] =	stream.indirect_vreg.gather [hbm4b:s1+s18], $0x80, v4, vm0, $0xb8;
	[tilespmem:$0x14200] =	vst v63  }
0x79: {  	s22 =	simm.s32 $0xFA00  }
0x7a: {  	[tilespmem:s22], [sflag:$0x2] =	stream.indirect_vreg.gather [hbm4b:s0+s18], $0x80, v4, vm0, $0xb8;
	[tilespmem:$0x14200] =	vst v63  }
0x7b: {  	s9 =	simm.s32 $0x10200  }
0x7c: {  	[tilespmem:s9], [sflag:$0x2] =	stream.indirect_vreg.gather [hbm4b:s12+s18], $0x80, v3, vm0, $0xb8;
	[tilespmem:$0x14200] =	vst v63  }
0x7d: {  	s17 =	simm.s32 $0x10A00  }
0x7e: {  	[tilespmem:s17], [sflag:$0x2] =	stream.indirect_vreg.gather [hbm4b:s24+s18], $0x80, v3, vm0, $0xb8;
	[tilespmem:$0x14200] =	vst v63  }
0x7f: {  	s19 =	simm.s32 $0x11200  }
0x80: {  	[tilespmem:s19], [sflag:$0x2] =	stream.indirect_vreg.gather [hbm4b:s26+s18], $0x80, v3, vm0, $0xb8;
	[tilespmem:$0x14200] =	vst v63  }
0x81: {  	s21 =	simm.s32 $0x11A00  }
0x82: {  	[tilespmem:s21], [sflag:$0x2] =	stream.indirect_vreg.gather [hbm4b:s29+s18], $0x80, v3, vm0, $0xb8;
	[tilespmem:$0x14200] =	vst v63  }
0x83: {  	s22 =	simm.s32 $0x12200  }
0x84: {  	[tilespmem:s22], [sflag:$0x2] =	stream.indirect_vreg.gather [hbm4b:s30+s18], $0x80, v3, vm0, $0xb8;
	[tilespmem:$0x14200] =	vst v63  }
0x85: {  	s9 =	simm.s32 $0x12A00  }
0x86: {  	[tilespmem:s9], [sflag:$0x2] =	stream.indirect_vreg.gather [hbm4b:s31+s18], $0x80, v3, vm0, $0xb8;
	[tilespmem:$0x14200] =	vst v63  }
0x87: {  	s17 =	simm.s32 $0x13200  }
0x88: {  	[tilespmem:s17], [sflag:$0x2] =	stream.indirect_vreg.gather [hbm4b:s1+s18], $0x80, v3, vm0, $0xb8;
	[tilespmem:$0x14200] =	vst v63  }
0x89: {  	s19 =	simm.s32 $0x13A00;
	s21 =	simm.s32 $0x1  }
0x8a: {  	[tilespmem:s19], [sflag:$0x2] =	stream.indirect_vreg.gather [hbm4b:s0+s18], $0x80, v3, vm0, $0xb8;
	[tilespmem:$0x14200] =	vst v63  }
0x8b: {  	_ =	swait.ge [sflag:s21], $0x8000  }
0x8c: {  	[sflag:s21] =	ssyncset.done $0x0  }
0x8d: {  	s22 =	simm.s32 $0xB;
	[sflag:s21] =	ssyncadd.s32 $0xFFFF8000  }
0x8e: {  	_ =	swait.ge [sflag:s22], $0x2000  }
0x8f: {  	[sflag:s22] =	ssyncset.done $0x0  }
0x90: {  	s21 =	simm.s32 $0x240;
	[sflag:s22] =	ssyncadd.s32 $0xFFFFE000;
	s22 =	simm.s32 $0x4200  }
.LBB2_3:
0x91: {  	v6 =	vld [tilespmem:s21+$0xFFFFFFC0]  }
0x92: {  	v3 =	vld [tilespmem:s21+$0xFFFFFFD0]  }
0x93: {  	v4 =	vld [tilespmem:s21+$0xFFFFFFE0]  }
0x94: {  	v5 =	vld [tilespmem:s21+$0x30];
	s9 =	simm.s32 $0x1000;
	s2 =	smov.u32 s21;
	s19 =	simm.s32 $0x0  }
.LBB2_4:
0x95: {  	p0 =	sne.s32 s9, $0xF000;
	v7 =	vld [tilespmem:s2+$0xFFFFFFF0]  }
0x96: {  	v8 =	vld [tilespmem:s2+$0x0]  }
0x97: {  	s17 =	sshra.s32 s19, $0x2;
	s19 =	smov.u32 s9;
	v9 =	vld [tilespmem:s2+$0x10]  }
0x98: {  	s17 =	sadd.s32 s17, s22;
	v10 =	vld [tilespmem:s2+$0x20]  }
0x99: {  	[tilespmem:s17+$0x4270] =	vst.add.f32.msk $0xffff, v5  }
0x9a: {  	[tilespmem:s17+$0x0] =	vst.add.f32.msk $0xffff, v6  }
0x9b: {  	[tilespmem:s17+$0x200] =	vst.add.f32.msk $0xffff, v6  }
0x9c: {  	[tilespmem:s17+$0x4000] =	vst.add.f32.msk $0xffff, v6  }
0x9d: {  	[tilespmem:s17+$0x4200] =	vst.add.f32.msk $0xffff, v6  }
0x9e: {  	[tilespmem:s17+$0x10] =	vst.add.f32.msk $0xffff, v3  }
0x9f: {  	[tilespmem:s17+$0x4030] =	vst.add.f32.msk $0xffff, v7  }
0xa0: {  	[tilespmem:s17+$0x4070] =	vst.add.f32.msk $0xffff, v5  }
0xa1: {  	[tilespmem:s17+$0x270] =	vst.add.f32.msk $0xffff, v5  }
0xa2: {  	[tilespmem:s17+$0x70] =	vst.add.f32.msk $0xffff, v5  }
0xa3: {  	[tilespmem:s17+$0x4260] =	vst.add.f32.msk $0xffff, v10  }
0xa4: {  	[tilespmem:s17+$0x4060] =	vst.add.f32.msk $0xffff, v10  }
0xa5: {  	[tilespmem:s17+$0x260] =	vst.add.f32.msk $0xffff, v10  }
0xa6: {  	[tilespmem:s17+$0x60] =	vst.add.f32.msk $0xffff, v10  }
0xa7: {  	[tilespmem:s17+$0x4250] =	vst.add.f32.msk $0xffff, v9  }
0xa8: {  	[tilespmem:s17+$0x4050] =	vst.add.f32.msk $0xffff, v9  }
0xa9: {  	[tilespmem:s17+$0x250] =	vst.add.f32.msk $0xffff, v9  }
0xaa: {  	[tilespmem:s17+$0x50] =	vst.add.f32.msk $0xffff, v9  }
0xab: {  	[tilespmem:s17+$0x4240] =	vst.add.f32.msk $0xffff, v8  }
0xac: {  	[tilespmem:s17+$0x4040] =	vst.add.f32.msk $0xffff, v8  }
0xad: {  	[tilespmem:s17+$0x240] =	vst.add.f32.msk $0xffff, v8  }
0xae: {  	[tilespmem:s17+$0x40] =	vst.add.f32.msk $0xffff, v8  }
0xaf: {  	[tilespmem:s17+$0x4230] =	vst.add.f32.msk $0xffff, v7  }
0xb0: {  	[tilespmem:s17+$0x230] =	vst.add.f32.msk $0xffff, v7  }
0xb1: {  	[tilespmem:s17+$0x30] =	vst.add.f32.msk $0xffff, v7  }
0xb2: {  	[tilespmem:s17+$0x4220] =	vst.add.f32.msk $0xffff, v4  }
0xb3: {  	[tilespmem:s17+$0x4020] =	vst.add.f32.msk $0xffff, v4  }
0xb4: {  	[tilespmem:s17+$0x220] =	vst.add.f32.msk $0xffff, v4  }
0xb5: {  	[tilespmem:s17+$0x20] =	vst.add.f32.msk $0xffff, v4  }
0xb6: {  	[tilespmem:s17+$0x4210] =	vst.add.f32.msk $0xffff, v3  }
0xb7: {  	[tilespmem:s17+$0x4010] =	vst.add.f32.msk $0xffff, v3  }
.Ltmp2:
0xb8: {  	s2 =	sadd.s32 $0x200, s2;
	[tilespmem:s17+$0x210] =	vst.add.f32.msk $0xffff, v3;
	(pc) =	sbr.rel @p0 .LBB2_4-.Ltmp2, $4  }
0xb9: {  	v6 =	vld [tilespmem:s2+$0xFFFFFFC0]  }
0xba: {  	v3 =	vld [tilespmem:s2+$0xFFFFFFD0]  }
0xbb: {  	v4 =	vld [tilespmem:s2+$0xFFFFFFE0]  }
0xbc: {  	s9 =	sadd.s32 $0x1000, s9;
	v5 =	vld [tilespmem:s2+$0x30]  }
0xbd: {  	v7 =	vld [tilespmem:s2+$0xFFFFFFF0]  }
0xbe: {  	v8 =	vld [tilespmem:s2+$0x0]  }
0xbf: {  	v9 =	vld [tilespmem:s2+$0x10];
	s9 =	sshra.s32 s19, $0x2  }
0xc0: {  	v10 =	vld [tilespmem:s2+$0x20];
	s19 =	sadd.s32 s9, s22  }
0xc1: {  	[tilespmem:s19+$0x0] =	vst.add.f32.msk $0xffff, v6  }
0xc2: {  	[tilespmem:s19+$0x200] =	vst.add.f32.msk $0xffff, v6  }
0xc3: {  	[tilespmem:s19+$0x4000] =	vst.add.f32.msk $0xffff, v6  }
0xc4: {  	[tilespmem:s19+$0x4200] =	vst.add.f32.msk $0xffff, v6  }
0xc5: {  	[tilespmem:s19+$0x10] =	vst.add.f32.msk $0xffff, v3  }
0xc6: {  	[tilespmem:s19+$0x4210] =	vst.add.f32.msk $0xffff, v3  }
0xc7: {  	[tilespmem:s19+$0x4010] =	vst.add.f32.msk $0xffff, v3  }
0xc8: {  	[tilespmem:s19+$0x210] =	vst.add.f32.msk $0xffff, v3  }
0xc9: {  	[tilespmem:s19+$0x4220] =	vst.add.f32.msk $0xffff, v4  }
0xca: {  	[tilespmem:s19+$0x4020] =	vst.add.f32.msk $0xffff, v4  }
0xcb: {  	[tilespmem:s19+$0x220] =	vst.add.f32.msk $0xffff, v4  }
0xcc: {  	[tilespmem:s19+$0x20] =	vst.add.f32.msk $0xffff, v4  }
0xcd: {  	[tilespmem:s19+$0x4270] =	vst.add.f32.msk $0xffff, v5  }
0xce: {  	[tilespmem:s19+$0x4070] =	vst.add.f32.msk $0xffff, v5  }
0xcf: {  	[tilespmem:s19+$0x270] =	vst.add.f32.msk $0xffff, v5  }
0xd0: {  	[tilespmem:s19+$0x70] =	vst.add.f32.msk $0xffff, v5  }
0xd1: {  	[tilespmem:s19+$0x4030] =	vst.add.f32.msk $0xffff, v7  }
0xd2: {  	[tilespmem:s19+$0x4260] =	vst.add.f32.msk $0xffff, v10  }
0xd3: {  	[tilespmem:s19+$0x4060] =	vst.add.f32.msk $0xffff, v10  }
0xd4: {  	[tilespmem:s19+$0x260] =	vst.add.f32.msk $0xffff, v10  }
0xd5: {  	[tilespmem:s19+$0x60] =	vst.add.f32.msk $0xffff, v10  }
0xd6: {  	[tilespmem:s19+$0x4250] =	vst.add.f32.msk $0xffff, v9  }
0xd7: {  	[tilespmem:s19+$0x4050] =	vst.add.f32.msk $0xffff, v9  }
0xd8: {  	[tilespmem:s19+$0x250] =	vst.add.f32.msk $0xffff, v9  }
0xd9: {  	[tilespmem:s19+$0x50] =	vst.add.f32.msk $0xffff, v9  }
0xda: {  	s18 =	sadd.s32 $0x1, s18;
	[tilespmem:s19+$0x4240] =	vst.add.f32.msk $0xffff, v8  }
0xdb: {  	p0 =	sne.s32 s18, $0x4;
	[tilespmem:s19+$0x4040] =	vst.add.f32.msk $0xffff, v8  }
.Ltmp3:
0xdc: {  	[tilespmem:s19+$0x240] =	vst.add.f32.msk $0xffff, v8;
	(pc) =	sbr.rel @p0 .LBB2_3-.Ltmp3, $4  }
0xdd: {  	[tilespmem:s19+$0x40] =	vst.add.f32.msk $0xffff, v8  }
0xde: {  	[tilespmem:s19+$0x4230] =	vst.add.f32.msk $0xffff, v7  }
0xdf: {  	[tilespmem:s19+$0x230] =	vst.add.f32.msk $0xffff, v7  }
0xe0: {  	s21 =	sadd.s32 $0x80, s21;
	s22 =	sadd.s32 $0x80, s22;
	[tilespmem:s19+$0x30] =	vst.add.f32.msk $0xffff, v7  }
0xe1: {  	s2 =	sshll.u32 s8, $0x3  }
0xe2: {  	s9 =	sadd.s32 s7, s2  }
0xe3: {  	s9 =	sshll.u32 s9, $0xC  }
0xe4: {  	s9 =	sor.u32 s5, s9  }
0xe5: {  	s9 =	sshrl.u32 s9, $0x3  }
0xe6: {  	s17 =	simm.s32 $0x4200;
	s9 =	sadd.s32 s3, s9  }
0xe7: {  	[hbm4b:s9+s4] =	stream.linear.scatter [tilespmem:s17], [sflag:$0x3], $0x200, $0x38;
	[tilespmem:$0x14200] =	vst v63  }
0xe8: {  	s18 =	simm.s32 $0x4600;
	s19 =	sadd.s32 $0x80, s9  }
0xe9: {  	[hbm4b:s19+s4] =	stream.linear.scatter [tilespmem:s18], [sflag:$0x3], $0x200, $0x38;
	[tilespmem:$0x14200] =	vst v63  }
0xea: {  	s22 =	simm.s32 $0x4A00;
	s21 =	sadd.s32 $0x100, s9  }
0xeb: {  	[hbm4b:s21+s4] =	stream.linear.scatter [tilespmem:s22], [sflag:$0x3], $0x200, $0x38;
	[tilespmem:$0x14200] =	vst v63  }
0xec: {  	s18 =	sadd.s32 $0x180, s9;
	s19 =	simm.s32 $0x4E00  }
0xed: {  	[hbm4b:s18+s4] =	stream.linear.scatter [tilespmem:s19], [sflag:$0x3], $0x200, $0x38;
	[tilespmem:$0x14200] =	vst v63  }
0xee: {  	s21 =	sadd.s32 $0x200, s9;
	s22 =	simm.s32 $0x5200  }
0xef: {  	[hbm4b:s21+s4] =	stream.linear.scatter [tilespmem:s22], [sflag:$0x3], $0x200, $0x38;
	[tilespmem:$0x14200] =	vst v63  }
0xf0: {  	s18 =	sadd.s32 $0x280, s9;
	s19 =	simm.s32 $0x5600  }
0xf1: {  	[hbm4b:s18+s4] =	stream.linear.scatter [tilespmem:s19], [sflag:$0x3], $0x200, $0x38;
	[tilespmem:$0x14200] =	vst v63  }
0xf2: {  	s21 =	sadd.s32 $0x300, s9;
	s22 =	simm.s32 $0x5A00  }
0xf3: {  	[hbm4b:s21+s4] =	stream.linear.scatter [tilespmem:s22], [sflag:$0x3], $0x200, $0x38;
	[tilespmem:$0x14200] =	vst v63  }
0xf4: {  	s18 =	sadd.s32 $0x380, s9;
	s19 =	simm.s32 $0x5E00  }
0xf5: {  	[hbm4b:s18+s4] =	stream.linear.scatter [tilespmem:s19], [sflag:$0x3], $0x200, $0x38;
	[tilespmem:$0x14200] =	vst v63  }
0xf6: {  	s21 =	sadd.s32 $0x400, s9;
	s22 =	simm.s32 $0x6200  }
0xf7: {  	[hbm4b:s21+s4] =	stream.linear.scatter [tilespmem:s22], [sflag:$0x3], $0x200, $0x38;
	[tilespmem:$0x14200] =	vst v63  }
0xf8: {  	s18 =	sadd.s32 $0x480, s9;
	s19 =	simm.s32 $0x6600  }
0xf9: {  	[hbm4b:s18+s4] =	stream.linear.scatter [tilespmem:s19], [sflag:$0x3], $0x200, $0x38;
	[tilespmem:$0x14200] =	vst v63  }
0xfa: {  	s21 =	sadd.s32 $0x500, s9;
	s22 =	simm.s32 $0x6A00  }
0xfb: {  	[hbm4b:s21+s4] =	stream.linear.scatter [tilespmem:s22], [sflag:$0x3], $0x200, $0x38;
	[tilespmem:$0x14200] =	vst v63  }
0xfc: {  	s18 =	sadd.s32 $0x580, s9;
	s19 =	simm.s32 $0x6E00  }
0xfd: {  	[hbm4b:s18+s4] =	stream.linear.scatter [tilespmem:s19], [sflag:$0x3], $0x200, $0x38;
	[tilespmem:$0x14200] =	vst v63  }
0xfe: {  	s21 =	sadd.s32 $0x600, s9;
	s22 =	simm.s32 $0x7200  }
0xff: {  	[hbm4b:s21+s4] =	stream.linear.scatter [tilespmem:s22], [sflag:$0x3], $0x200, $0x38;
	[tilespmem:$0x14200] =	vst v63  }
0x100: {  	s18 =	sadd.s32 $0x680, s9;
	s19 =	simm.s32 $0x7600  }
0x101: {  	[hbm4b:s18+s4] =	stream.linear.scatter [tilespmem:s19], [sflag:$0x3], $0x200, $0x38;
	[tilespmem:$0x14200] =	vst v63  }
0x102: {  	s21 =	sadd.s32 $0x700, s9;
	s22 =	simm.s32 $0x7A00  }
0x103: {  	[hbm4b:s21+s4] =	stream.linear.scatter [tilespmem:s22], [sflag:$0x3], $0x200, $0x38;
	[tilespmem:$0x14200] =	vst v63  }
0x104: {  	s9 =	sadd.s32 $0x780, s9;
	s19 =	simm.s32 $0x7E00;
	s21 =	sadd.s32 s13, s2  }
0x105: {  	[hbm4b:s9+s4] =	stream.linear.scatter [tilespmem:s19], [sflag:$0x3], $0x200, $0x38;
	[tilespmem:$0x14200] =	vst v63  }
0x106: {  	s9 =	sshll.u32 s21, $0xC  }
0x107: {  	s9 =	sor.u32 s5, s9  }
0x108: {  	s9 =	sshrl.u32 s9, $0x3  }
0x109: {  	s22 =	simm.s32 $0x4400;
	s9 =	sadd.s32 s3, s9  }
0x10a: {  	[hbm4b:s9+s4] =	stream.linear.scatter [tilespmem:s22], [sflag:$0x4], $0x200, $0x38;
	[tilespmem:$0x14200] =	vst v63  }
0x10b: {  	s19 =	simm.s32 $0x4800;
	s18 =	sadd.s32 $0x80, s9  }
0x10c: {  	[hbm4b:s18+s4] =	stream.linear.scatter [tilespmem:s19], [sflag:$0x4], $0x200, $0x38;
	[tilespmem:$0x14200] =	vst v63  }
0x10d: {  	s21 =	sadd.s32 $0x100, s9;
	s22 =	simm.s32 $0x4C00  }
0x10e: {  	[hbm4b:s21+s4] =	stream.linear.scatter [tilespmem:s22], [sflag:$0x4], $0x200, $0x38;
	[tilespmem:$0x14200] =	vst v63  }
0x10f: {  	s18 =	sadd.s32 $0x180, s9;
	s19 =	simm.s32 $0x5000  }
0x110: {  	[hbm4b:s18+s4] =	stream.linear.scatter [tilespmem:s19], [sflag:$0x4], $0x200, $0x38;
	[tilespmem:$0x14200] =	vst v63  }
0x111: {  	s21 =	sadd.s32 $0x200, s9;
	s22 =	simm.s32 $0x5400  }
0x112: {  	[hbm4b:s21+s4] =	stream.linear.scatter [tilespmem:s22], [sflag:$0x4], $0x200, $0x38;
	[tilespmem:$0x14200] =	vst v63  }
0x113: {  	s18 =	sadd.s32 $0x280, s9;
	s19 =	simm.s32 $0x5800  }
0x114: {  	[hbm4b:s18+s4] =	stream.linear.scatter [tilespmem:s19], [sflag:$0x4], $0x200, $0x38;
	[tilespmem:$0x14200] =	vst v63  }
0x115: {  	s21 =	sadd.s32 $0x300, s9;
	s22 =	simm.s32 $0x5C00  }
0x116: {  	[hbm4b:s21+s4] =	stream.linear.scatter [tilespmem:s22], [sflag:$0x4], $0x200, $0x38;
	[tilespmem:$0x14200] =	vst v63  }
0x117: {  	s18 =	sadd.s32 $0x380, s9;
	s19 =	simm.s32 $0x6000  }
0x118: {  	[hbm4b:s18+s4] =	stream.linear.scatter [tilespmem:s19], [sflag:$0x4], $0x200, $0x38;
	[tilespmem:$0x14200] =	vst v63  }
0x119: {  	s21 =	sadd.s32 $0x400, s9;
	s22 =	simm.s32 $0x6400  }
0x11a: {  	[hbm4b:s21+s4] =	stream.linear.scatter [tilespmem:s22], [sflag:$0x4], $0x200, $0x38;
	[tilespmem:$0x14200] =	vst v63  }
0x11b: {  	s18 =	sadd.s32 $0x480, s9;
	s19 =	simm.s32 $0x6800  }
0x11c: {  	[hbm4b:s18+s4] =	stream.linear.scatter [tilespmem:s19], [sflag:$0x4], $0x200, $0x38;
	[tilespmem:$0x14200] =	vst v63  }
0x11d: {  	s21 =	sadd.s32 $0x500, s9;
	s22 =	simm.s32 $0x6C00  }
0x11e: {  	[hbm4b:s21+s4] =	stream.linear.scatter [tilespmem:s22], [sflag:$0x4], $0x200, $0x38;
	[tilespmem:$0x14200] =	vst v63  }
0x11f: {  	s18 =	sadd.s32 $0x580, s9;
	s19 =	simm.s32 $0x7000  }
0x120: {  	[hbm4b:s18+s4] =	stream.linear.scatter [tilespmem:s19], [sflag:$0x4], $0x200, $0x38;
	[tilespmem:$0x14200] =	vst v63  }
0x121: {  	s21 =	sadd.s32 $0x600, s9;
	s22 =	simm.s32 $0x7400  }
0x122: {  	[hbm4b:s21+s4] =	stream.linear.scatter [tilespmem:s22], [sflag:$0x4], $0x200, $0x38;
	[tilespmem:$0x14200] =	vst v63  }
0x123: {  	s18 =	sadd.s32 $0x680, s9;
	s19 =	simm.s32 $0x7800  }
0x124: {  	[hbm4b:s18+s4] =	stream.linear.scatter [tilespmem:s19], [sflag:$0x4], $0x200, $0x38;
	[tilespmem:$0x14200] =	vst v63  }
0x125: {  	s21 =	sadd.s32 $0x700, s9;
	s22 =	simm.s32 $0x7C00  }
0x126: {  	[hbm4b:s21+s4] =	stream.linear.scatter [tilespmem:s22], [sflag:$0x4], $0x200, $0x38;
	[tilespmem:$0x14200] =	vst v63  }
0x127: {  	s9 =	sadd.s32 $0x780, s9;
	s19 =	simm.s32 $0x8000;
	s21 =	sadd.s32 s14, s2  }
0x128: {  	[hbm4b:s9+s4] =	stream.linear.scatter [tilespmem:s19], [sflag:$0x4], $0x200, $0x38;
	[tilespmem:$0x14200] =	vst v63  }
0x129: {  	s9 =	sshll.u32 s21, $0xC  }
0x12a: {  	s9 =	sor.u32 s5, s9  }
0x12b: {  	s9 =	sshrl.u32 s9, $0x3  }
0x12c: {  	s22 =	simm.s32 $0x8200;
	s9 =	sadd.s32 s3, s9  }
0x12d: {  	[hbm4b:s9+s4] =	stream.linear.scatter [tilespmem:s22], [sflag:$0x5], $0x200, $0x38;
	[tilespmem:$0x14200] =	vst v63  }
0x12e: {  	s19 =	simm.s32 $0x8600;
	s18 =	sadd.s32 $0x80, s9  }
0x12f: {  	[hbm4b:s18+s4] =	stream.linear.scatter [tilespmem:s19], [sflag:$0x5], $0x200, $0x38;
	[tilespmem:$0x14200] =	vst v63  }
0x130: {  	s21 =	sadd.s32 $0x100, s9;
	s22 =	simm.s32 $0x8A00  }
0x131: {  	[hbm4b:s21+s4] =	stream.linear.scatter [tilespmem:s22], [sflag:$0x5], $0x200, $0x38;
	[tilespmem:$0x14200] =	vst v63  }
0x132: {  	s18 =	sadd.s32 $0x180, s9;
	s19 =	simm.s32 $0x8E00  }
0x133: {  	[hbm4b:s18+s4] =	stream.linear.scatter [tilespmem:s19], [sflag:$0x5], $0x200, $0x38;
	[tilespmem:$0x14200] =	vst v63  }
0x134: {  	s21 =	sadd.s32 $0x200, s9;
	s22 =	simm.s32 $0x9200  }
0x135: {  	[hbm4b:s21+s4] =	stream.linear.scatter [tilespmem:s22], [sflag:$0x5], $0x200, $0x38;
	[tilespmem:$0x14200] =	vst v63  }
0x136: {  	s18 =	sadd.s32 $0x280, s9;
	s19 =	simm.s32 $0x9600  }
0x137: {  	[hbm4b:s18+s4] =	stream.linear.scatter [tilespmem:s19], [sflag:$0x5], $0x200, $0x38;
	[tilespmem:$0x14200] =	vst v63  }
0x138: {  	s21 =	sadd.s32 $0x300, s9;
	s22 =	simm.s32 $0x9A00  }
0x139: {  	[hbm4b:s21+s4] =	stream.linear.scatter [tilespmem:s22], [sflag:$0x5], $0x200, $0x38;
	[tilespmem:$0x14200] =	vst v63  }
0x13a: {  	s18 =	sadd.s32 $0x380, s9;
	s19 =	simm.s32 $0x9E00  }
0x13b: {  	[hbm4b:s18+s4] =	stream.linear.scatter [tilespmem:s19], [sflag:$0x5], $0x200, $0x38;
	[tilespmem:$0x14200] =	vst v63  }
0x13c: {  	s21 =	sadd.s32 $0x400, s9;
	s22 =	simm.s32 $0xA200  }
0x13d: {  	[hbm4b:s21+s4] =	stream.linear.scatter [tilespmem:s22], [sflag:$0x5], $0x200, $0x38;
	[tilespmem:$0x14200] =	vst v63  }
0x13e: {  	s18 =	sadd.s32 $0x480, s9;
	s19 =	simm.s32 $0xA600  }
0x13f: {  	[hbm4b:s18+s4] =	stream.linear.scatter [tilespmem:s19], [sflag:$0x5], $0x200, $0x38;
	[tilespmem:$0x14200] =	vst v63  }
0x140: {  	s21 =	sadd.s32 $0x500, s9;
	s22 =	simm.s32 $0xAA00  }
0x141: {  	[hbm4b:s21+s4] =	stream.linear.scatter [tilespmem:s22], [sflag:$0x5], $0x200, $0x38;
	[tilespmem:$0x14200] =	vst v63  }
0x142: {  	s18 =	sadd.s32 $0x580, s9;
	s19 =	simm.s32 $0xAE00  }
0x143: {  	[hbm4b:s18+s4] =	stream.linear.scatter [tilespmem:s19], [sflag:$0x5], $0x200, $0x38;
	[tilespmem:$0x14200] =	vst v63  }
0x144: {  	s2 =	sadd.s32 s15, s2;
	s21 =	sadd.s32 $0x600, s9;
	s22 =	simm.s32 $0xB200  }
0x145: {  	[hbm4b:s21+s4] =	stream.linear.scatter [tilespmem:s22], [sflag:$0x5], $0x200, $0x38;
	[tilespmem:$0x14200] =	vst v63  }
0x146: {  	s2 =	sshll.u32 s2, $0xC;
	s18 =	sadd.s32 $0x680, s9;
	s19 =	simm.s32 $0xB600  }
0x147: {  	[hbm4b:s18+s4] =	stream.linear.scatter [tilespmem:s19], [sflag:$0x5], $0x200, $0x38;
	[tilespmem:$0x14200] =	vst v63  }
0x148: {  	s2 =	sor.u32 s5, s2;
	s21 =	sadd.s32 $0x700, s9;
	s22 =	simm.s32 $0xBA00  }
0x149: {  	[hbm4b:s21+s4] =	stream.linear.scatter [tilespmem:s22], [sflag:$0x5], $0x200, $0x38;
	[tilespmem:$0x14200] =	vst v63  }
0x14a: {  	s2 =	sshrl.u32 s2, $0x3;
	s9 =	sadd.s32 $0x780, s9;
	s18 =	simm.s32 $0xBE00  }
0x14b: {  	[hbm4b:s9+s4] =	stream.linear.scatter [tilespmem:s18], [sflag:$0x5], $0x200, $0x38;
	[tilespmem:$0x14200] =	vst v63  }
0x14c: {  	s2 =	sadd.s32 s3, s2;
	s19 =	simm.s32 $0x8400  }
0x14d: {  	[hbm4b:s2+s4] =	stream.linear.scatter [tilespmem:s19], [sflag:$0x6], $0x200, $0x38;
	[tilespmem:$0x14200] =	vst v63  }
0x14e: {  	s21 =	sadd.s32 $0x80, s2;
	s22 =	simm.s32 $0x8800  }
0x14f: {  	[hbm4b:s21+s4] =	stream.linear.scatter [tilespmem:s22], [sflag:$0x6], $0x200, $0x38;
	[tilespmem:$0x14200] =	vst v63  }
0x150: {  	s18 =	sadd.s32 $0x100, s2;
	s19 =	simm.s32 $0x8C00  }
0x151: {  	[hbm4b:s18+s4] =	stream.linear.scatter [tilespmem:s19], [sflag:$0x6], $0x200, $0x38;
	[tilespmem:$0x14200] =	vst v63  }
0x152: {  	s21 =	sadd.s32 $0x180, s2;
	s22 =	simm.s32 $0x9000  }
0x153: {  	[hbm4b:s21+s4] =	stream.linear.scatter [tilespmem:s22], [sflag:$0x6], $0x200, $0x38;
	[tilespmem:$0x14200] =	vst v63  }
0x154: {  	s18 =	sadd.s32 $0x200, s2;
	s19 =	simm.s32 $0x9400  }
0x155: {  	[hbm4b:s18+s4] =	stream.linear.scatter [tilespmem:s19], [sflag:$0x6], $0x200, $0x38;
	[tilespmem:$0x14200] =	vst v63  }
0x156: {  	s21 =	sadd.s32 $0x280, s2;
	s22 =	simm.s32 $0x9800  }
0x157: {  	[hbm4b:s21+s4] =	stream.linear.scatter [tilespmem:s22], [sflag:$0x6], $0x200, $0x38;
	[tilespmem:$0x14200] =	vst v63  }
0x158: {  	s18 =	sadd.s32 $0x300, s2;
	s19 =	simm.s32 $0x9C00  }
0x159: {  	[hbm4b:s18+s4] =	stream.linear.scatter [tilespmem:s19], [sflag:$0x6], $0x200, $0x38;
	[tilespmem:$0x14200] =	vst v63  }
0x15a: {  	s21 =	sadd.s32 $0x380, s2;
	s22 =	simm.s32 $0xA000  }
0x15b: {  	[hbm4b:s21+s4] =	stream.linear.scatter [tilespmem:s22], [sflag:$0x6], $0x200, $0x38;
	[tilespmem:$0x14200] =	vst v63  }
0x15c: {  	s18 =	sadd.s32 $0x400, s2;
	s19 =	simm.s32 $0xA400  }
0x15d: {  	[hbm4b:s18+s4] =	stream.linear.scatter [tilespmem:s19], [sflag:$0x6], $0x200, $0x38;
	[tilespmem:$0x14200] =	vst v63  }
0x15e: {  	s21 =	sadd.s32 $0x480, s2;
	s22 =	simm.s32 $0xA800  }
0x15f: {  	[hbm4b:s21+s4] =	stream.linear.scatter [tilespmem:s22], [sflag:$0x6], $0x200, $0x38;
	[tilespmem:$0x14200] =	vst v63  }
0x160: {  	s18 =	sadd.s32 $0x500, s2;
	s19 =	simm.s32 $0xAC00  }
0x161: {  	[hbm4b:s18+s4] =	stream.linear.scatter [tilespmem:s19], [sflag:$0x6], $0x200, $0x38;
	[tilespmem:$0x14200] =	vst v63  }
0x162: {  	s21 =	sadd.s32 $0x580, s2;
	s22 =	simm.s32 $0xB000  }
0x163: {  	[hbm4b:s21+s4] =	stream.linear.scatter [tilespmem:s22], [sflag:$0x6], $0x200, $0x38;
	[tilespmem:$0x14200] =	vst v63  }
0x164: {  	s18 =	sadd.s32 $0x600, s2;
	s19 =	simm.s32 $0xB400  }
0x165: {  	[hbm4b:s18+s4] =	stream.linear.scatter [tilespmem:s19], [sflag:$0x6], $0x200, $0x38;
	[tilespmem:$0x14200] =	vst v63  }
0x166: {  	s21 =	sadd.s32 $0x680, s2;
	s22 =	simm.s32 $0xB800  }
0x167: {  	[hbm4b:s21+s4] =	stream.linear.scatter [tilespmem:s22], [sflag:$0x6], $0x200, $0x38;
	[tilespmem:$0x14200] =	vst v63  }
0x168: {  	s18 =	sadd.s32 $0x700, s2;
	s19 =	simm.s32 $0xBC00  }
0x169: {  	[hbm4b:s18+s4] =	stream.linear.scatter [tilespmem:s19], [sflag:$0x6], $0x200, $0x38;
	[tilespmem:$0x14200] =	vst v63  }
0x16a: {  	s2 =	sadd.s32 $0x780, s2;
	s21 =	simm.s32 $0xC000  }
0x16b: {  	[hbm4b:s2+s4] =	stream.linear.scatter [tilespmem:s21], [sflag:$0x6], $0x200, $0x38;
	[tilespmem:$0x14200] =	vst v63  }
0x16c: {  	p0 =	seq.s32 s8, $0xF;
	s2 =	sadd.s32 $0x2, s11  }
0x16d: {  	s11 =	rddreg [dreg:$0x5];
	s9 =	sshll.u32 @!p0 s2, $0xE  }
0x16e: {  	s9 =	sadd.s32 @!p0 s11, s9  }
0x16f: {  	s17 =	simm.s32 @!p0 $0x200;
	s11 =	rddreg [dreg:$0x2];
	s9 =	sshrl.u32 @!p0 s9, $0x3  }
0x170: {  	s22 =	simm.s32 $0x3;
	s9 =	sadd.s32 @!p0 s11, s9;
	s11 =	simm.s32 @!p0 $0x400  }
0x171: {  	[tilespmem:s17], [sflag:$0xB] =	stream.strided.gather @!p0 [hbm4b:s9+s17], $0x2000, s11, s17, $0x38;
	[tilespmem:$0x14200] =	vst v63  }
0x172: {  	_ =	swait.ge [sflag:s22], $0x2000  }
0x173: {  	[sflag:s22] =	ssyncset.done $0x0  }
0x174: {  	[sflag:s22] =	ssyncadd.s32 $0xFFFFE000  }
0x175: {  	_ =	swait.ge [sflag:s6], $0x2000  }
0x176: {  	[sflag:s6] =	ssyncset.done $0x0  }
0x177: {  	[sflag:s6] =	ssyncadd.s32 $0xFFFFE000  }
0x178: {  	_ =	swait.ge [sflag:s20], $0x2000  }
0x179: {  	[sflag:s20] =	ssyncset.done $0x0  }
0x17a: {  	[sflag:s20] =	ssyncadd.s32 $0xFFFFE000  }
0x17b: {  	_ =	swait.ge [sflag:s23], $0x2000  }
0x17c: {  	s2 =	sshll.u32 @!p0 s2, $0x4;
	[sflag:s23] =	ssyncset.done $0x0  }
0x17d: {  	s2 =	sand.u32 @!p0 $0x3FFFFFF0, s2;
	[sflag:s23] =	ssyncadd.s32 $0xFFFFE000  }
0x17e: {  	v3 =	vld @!p0 [tilespmem:s2+$0x0];
	_ =	sdelay $0x4  }
0x17f: {  	v4 =	vshll.u32 @!p0 v3, $0x5  }
0x180: {  	v5 =	vlaneseq.u32 @!p0;
	v3 =	vand.u32 @!p0 $0x7, v3;
	v4 =	vand.u32 @!p0 $0xFFFFFF00, v4  }
0x181: {  	v6 =	vshrl.u32 @!p0 v5, $0x3;
	v3 =	vor.u32 @!p0 v3, v4;
	v4 =	vand.u32 @!p0 $0x7, v5  }
0x182: {  	v6 =	vmul.u32 @!p0 $0x8, v6;
	v4 =	vperm.xlane @!p0 v3, v4;
	_ =	sdelay $0x1  }
0x183: {  	v4 =	vadd.s32 @!p0 v6, v4;
	_ =	sdelay $0x3  }
0x184: {  	vm1 =	vmmov @!p0 $0xffff;
	s9 =	simm.s32 @!p0 $0x4200;
	s2 =	simm.s32 @!p0 $0x0  }
0x185: {  	[tilespmem:s9], [sflag:$0x1] =	stream.indirect_vreg.gather @!p0 [hbm4b:s12+s2], $0x80, v4, vm1, $0xb8;
	[tilespmem:$0x14200] =	vst v63  }
0x186: {  	s9 =	simm.s32 @!p0 $0x4A00  }
0x187: {  	[tilespmem:s9], [sflag:$0x1] =	stream.indirect_vreg.gather @!p0 [hbm4b:s24+s2], $0x80, v4, vm1, $0xb8;
	[tilespmem:$0x14200] =	vst v63  }
0x188: {  	s9 =	simm.s32 @!p0 $0x5200  }
0x189: {  	[tilespmem:s9], [sflag:$0x1] =	stream.indirect_vreg.gather @!p0 [hbm4b:s26+s2], $0x80, v4, vm1, $0xb8;
	[tilespmem:$0x14200] =	vst v63  }
0x18a: {  	s9 =	simm.s32 @!p0 $0x5A00  }
0x18b: {  	[tilespmem:s9], [sflag:$0x1] =	stream.indirect_vreg.gather @!p0 [hbm4b:s29+s2], $0x80, v4, vm1, $0xb8;
	[tilespmem:$0x14200] =	vst v63  }
0x18c: {  	s9 =	simm.s32 @!p0 $0x6200  }
0x18d: {  	v5 =	vor.u32 @!p0 $0x8, v5;
	[tilespmem:s9], [sflag:$0x1] =	stream.indirect_vreg.gather @!p0 [hbm4b:s30+s2], $0x80, v4, vm1, $0xb8;
	[tilespmem:$0x14200] =	vst v63  }
0x18e: {  	v3 =	vperm.xlane @!p0 v3, v5;
	s9 =	simm.s32 @!p0 $0x6A00  }
0x18f: {  	[tilespmem:s9], [sflag:$0x1] =	stream.indirect_vreg.gather @!p0 [hbm4b:s31+s2], $0x80, v4, vm1, $0xb8;
	[tilespmem:$0x14200] =	vst v63  }
0x190: {  	v3 =	vadd.s32 @!p0 v6, v3;
	s9 =	simm.s32 @!p0 $0x7200  }
0x191: {  	[tilespmem:s9], [sflag:$0x1] =	stream.indirect_vreg.gather @!p0 [hbm4b:s1+s2], $0x80, v4, vm1, $0xb8;
	[tilespmem:$0x14200] =	vst v63  }
0x192: {  	s9 =	simm.s32 @!p0 $0x7A00  }
0x193: {  	[tilespmem:s9], [sflag:$0x1] =	stream.indirect_vreg.gather @!p0 [hbm4b:s0+s2], $0x80, v4, vm1, $0xb8;
	[tilespmem:$0x14200] =	vst v63  }
0x194: {  	s9 =	simm.s32 @!p0 $0x8200  }
0x195: {  	[tilespmem:s9], [sflag:$0x1] =	stream.indirect_vreg.gather @!p0 [hbm4b:s12+s2], $0x80, v3, vm1, $0xb8;
	[tilespmem:$0x14200] =	vst v63  }
0x196: {  	s9 =	simm.s32 @!p0 $0x8A00  }
0x197: {  	[tilespmem:s9], [sflag:$0x1] =	stream.indirect_vreg.gather @!p0 [hbm4b:s24+s2], $0x80, v3, vm1, $0xb8;
	[tilespmem:$0x14200] =	vst v63  }
0x198: {  	s9 =	simm.s32 @!p0 $0x9200  }
0x199: {  	[tilespmem:s9], [sflag:$0x1] =	stream.indirect_vreg.gather @!p0 [hbm4b:s26+s2], $0x80, v3, vm1, $0xb8;
	[tilespmem:$0x14200] =	vst v63  }
0x19a: {  	s9 =	simm.s32 @!p0 $0x9A00  }
0x19b: {  	[tilespmem:s9], [sflag:$0x1] =	stream.indirect_vreg.gather @!p0 [hbm4b:s29+s2], $0x80, v3, vm1, $0xb8;
	[tilespmem:$0x14200] =	vst v63  }
0x19c: {  	s9 =	simm.s32 @!p0 $0xA200  }
0x19d: {  	[tilespmem:s9], [sflag:$0x1] =	stream.indirect_vreg.gather @!p0 [hbm4b:s30+s2], $0x80, v3, vm1, $0xb8;
	[tilespmem:$0x14200] =	vst v63  }
0x19e: {  	s9 =	simm.s32 @!p0 $0xAA00  }
0x19f: {  	[tilespmem:s9], [sflag:$0x1] =	stream.indirect_vreg.gather @!p0 [hbm4b:s31+s2], $0x80, v3, vm1, $0xb8;
	[tilespmem:$0x14200] =	vst v63  }
0x1a0: {  	s9 =	simm.s32 @!p0 $0xB200  }
0x1a1: {  	[tilespmem:s9], [sflag:$0x1] =	stream.indirect_vreg.gather @!p0 [hbm4b:s1+s2], $0x80, v3, vm1, $0xb8;
	[tilespmem:$0x14200] =	vst v63  }
0x1a2: {  	s9 =	simm.s32 @!p0 $0xBA00  }
0x1a3: {  	[tilespmem:s9], [sflag:$0x1] =	stream.indirect_vreg.gather @!p0 [hbm4b:s0+s2], $0x80, v3, vm1, $0xb8;
	[tilespmem:$0x14200] =	vst v63  }
0x1a4: {  	_ =	swait.ge [sflag:s25], $0x8000  }
0x1a5: {  	[sflag:s25] =	ssyncset.done $0x0  }
0x1a6: {  	[sflag:s25] =	ssyncadd.s32 $0xFFFF8000  }
0x1a7: {  	_ =	swait.ge [sflag:s28], $0x2000  }
0x1a8: {  	s18 =	simm.s32 $0xC200;
	s11 =	simm.s32 $0x0;
	[sflag:s28] =	ssyncset.done $0x0  }
0x1a9: {  	s22 =	simm.s32 $0xDA00;
	s2 =	simm.s32 $0x2240;
	[sflag:s28] =	ssyncadd.s32 $0xFFFFE000  }
.LBB2_7:
0x1aa: {  	v6 =	vld [tilespmem:s2+$0xFFFFFFC0]  }
0x1ab: {  	v3 =	vld [tilespmem:s2+$0xFFFFFFD0]  }
0x1ac: {  	v4 =	vld [tilespmem:s2+$0xFFFFFFE0]  }
0x1ad: {  	v5 =	vld [tilespmem:s2+$0x30];
	s9 =	simm.s32 $0x1000;
	s21 =	smov.u32 s2;
	s19 =	simm.s32 $0x0  }
.LBB2_8:
0x1ae: {  	p1 =	sne.s32 s9, $0xF000;
	v7 =	vld [tilespmem:s21+$0xFFFFFFF0]  }
0x1af: {  	v8 =	vld [tilespmem:s21+$0x0]  }
0x1b0: {  	s17 =	sshra.s32 s19, $0x2;
	s19 =	smov.u32 s9;
	v9 =	vld [tilespmem:s21+$0x10]  }
0x1b1: {  	s17 =	sadd.s32 s17, s18;
	v10 =	vld [tilespmem:s21+$0x20]  }
0x1b2: {  	[tilespmem:s17+$0x4270] =	vst.add.f32.msk $0xffff, v5  }
0x1b3: {  	[tilespmem:s17+$0x0] =	vst.add.f32.msk $0xffff, v6  }
0x1b4: {  	[tilespmem:s17+$0x200] =	vst.add.f32.msk $0xffff, v6  }
0x1b5: {  	[tilespmem:s17+$0x4000] =	vst.add.f32.msk $0xffff, v6  }
0x1b6: {  	[tilespmem:s17+$0x4200] =	vst.add.f32.msk $0xffff, v6  }
0x1b7: {  	[tilespmem:s17+$0x10] =	vst.add.f32.msk $0xffff, v3  }
0x1b8: {  	[tilespmem:s17+$0x4030] =	vst.add.f32.msk $0xffff, v7  }
0x1b9: {  	[tilespmem:s17+$0x4070] =	vst.add.f32.msk $0xffff, v5  }
0x1ba: {  	[tilespmem:s17+$0x270] =	vst.add.f32.msk $0xffff, v5  }
0x1bb: {  	[tilespmem:s17+$0x70] =	vst.add.f32.msk $0xffff, v5  }
0x1bc: {  	[tilespmem:s17+$0x4260] =	vst.add.f32.msk $0xffff, v10  }
0x1bd: {  	[tilespmem:s17+$0x4060] =	vst.add.f32.msk $0xffff, v10  }
0x1be: {  	[tilespmem:s17+$0x260] =	vst.add.f32.msk $0xffff, v10  }
0x1bf: {  	[tilespmem:s17+$0x60] =	vst.add.f32.msk $0xffff, v10  }
0x1c0: {  	[tilespmem:s17+$0x4250] =	vst.add.f32.msk $0xffff, v9  }
0x1c1: {  	[tilespmem:s17+$0x4050] =	vst.add.f32.msk $0xffff, v9  }
0x1c2: {  	[tilespmem:s17+$0x250] =	vst.add.f32.msk $0xffff, v9  }
0x1c3: {  	[tilespmem:s17+$0x50] =	vst.add.f32.msk $0xffff, v9  }
0x1c4: {  	[tilespmem:s17+$0x4240] =	vst.add.f32.msk $0xffff, v8  }
0x1c5: {  	[tilespmem:s17+$0x4040] =	vst.add.f32.msk $0xffff, v8  }
0x1c6: {  	[tilespmem:s17+$0x240] =	vst.add.f32.msk $0xffff, v8  }
0x1c7: {  	[tilespmem:s17+$0x40] =	vst.add.f32.msk $0xffff, v8  }
0x1c8: {  	[tilespmem:s17+$0x4230] =	vst.add.f32.msk $0xffff, v7  }
0x1c9: {  	[tilespmem:s17+$0x230] =	vst.add.f32.msk $0xffff, v7  }
0x1ca: {  	[tilespmem:s17+$0x30] =	vst.add.f32.msk $0xffff, v7  }
0x1cb: {  	[tilespmem:s17+$0x4220] =	vst.add.f32.msk $0xffff, v4  }
0x1cc: {  	[tilespmem:s17+$0x4020] =	vst.add.f32.msk $0xffff, v4  }
0x1cd: {  	[tilespmem:s17+$0x220] =	vst.add.f32.msk $0xffff, v4  }
0x1ce: {  	[tilespmem:s17+$0x20] =	vst.add.f32.msk $0xffff, v4  }
0x1cf: {  	[tilespmem:s17+$0x4210] =	vst.add.f32.msk $0xffff, v3  }
0x1d0: {  	[tilespmem:s17+$0x4010] =	vst.add.f32.msk $0xffff, v3  }
.Ltmp4:
0x1d1: {  	s21 =	sadd.s32 $0x200, s21;
	[tilespmem:s17+$0x210] =	vst.add.f32.msk $0xffff, v3;
	(pc) =	sbr.rel @p1 .LBB2_8-.Ltmp4, $4  }
0x1d2: {  	v6 =	vld [tilespmem:s21+$0xFFFFFFC0]  }
0x1d3: {  	v3 =	vld [tilespmem:s21+$0xFFFFFFD0]  }
0x1d4: {  	v4 =	vld [tilespmem:s21+$0xFFFFFFE0]  }
0x1d5: {  	s9 =	sadd.s32 $0x1000, s9;
	v5 =	vld [tilespmem:s21+$0x30]  }
0x1d6: {  	v7 =	vld [tilespmem:s21+$0xFFFFFFF0]  }
0x1d7: {  	v8 =	vld [tilespmem:s21+$0x0]  }
0x1d8: {  	v9 =	vld [tilespmem:s21+$0x10];
	s9 =	sshra.s32 s19, $0x2  }
0x1d9: {  	v10 =	vld [tilespmem:s21+$0x20];
	s9 =	sadd.s32 s9, s18  }
0x1da: {  	[tilespmem:s9+$0x0] =	vst.add.f32.msk $0xffff, v6  }
0x1db: {  	[tilespmem:s9+$0x200] =	vst.add.f32.msk $0xffff, v6  }
0x1dc: {  	[tilespmem:s9+$0x4000] =	vst.add.f32.msk $0xffff, v6  }
0x1dd: {  	[tilespmem:s9+$0x4200] =	vst.add.f32.msk $0xffff, v6  }
0x1de: {  	[tilespmem:s9+$0x10] =	vst.add.f32.msk $0xffff, v3  }
0x1df: {  	[tilespmem:s9+$0x4210] =	vst.add.f32.msk $0xffff, v3  }
0x1e0: {  	[tilespmem:s9+$0x4010] =	vst.add.f32.msk $0xffff, v3  }
0x1e1: {  	[tilespmem:s9+$0x210] =	vst.add.f32.msk $0xffff, v3  }
0x1e2: {  	[tilespmem:s9+$0x4220] =	vst.add.f32.msk $0xffff, v4  }
0x1e3: {  	[tilespmem:s9+$0x4020] =	vst.add.f32.msk $0xffff, v4  }
0x1e4: {  	[tilespmem:s9+$0x220] =	vst.add.f32.msk $0xffff, v4  }
0x1e5: {  	[tilespmem:s9+$0x20] =	vst.add.f32.msk $0xffff, v4  }
0x1e6: {  	[tilespmem:s9+$0x4270] =	vst.add.f32.msk $0xffff, v5  }
0x1e7: {  	[tilespmem:s9+$0x4070] =	vst.add.f32.msk $0xffff, v5  }
0x1e8: {  	[tilespmem:s9+$0x270] =	vst.add.f32.msk $0xffff, v5  }
0x1e9: {  	[tilespmem:s9+$0x70] =	vst.add.f32.msk $0xffff, v5  }
0x1ea: {  	[tilespmem:s9+$0x4030] =	vst.add.f32.msk $0xffff, v7  }
0x1eb: {  	[tilespmem:s9+$0x4260] =	vst.add.f32.msk $0xffff, v10  }
0x1ec: {  	[tilespmem:s9+$0x4060] =	vst.add.f32.msk $0xffff, v10  }
0x1ed: {  	[tilespmem:s9+$0x260] =	vst.add.f32.msk $0xffff, v10  }
0x1ee: {  	[tilespmem:s9+$0x60] =	vst.add.f32.msk $0xffff, v10  }
0x1ef: {  	[tilespmem:s9+$0x4250] =	vst.add.f32.msk $0xffff, v9  }
0x1f0: {  	[tilespmem:s9+$0x4050] =	vst.add.f32.msk $0xffff, v9  }
0x1f1: {  	[tilespmem:s9+$0x250] =	vst.add.f32.msk $0xffff, v9  }
0x1f2: {  	[tilespmem:s9+$0x50] =	vst.add.f32.msk $0xffff, v9  }
0x1f3: {  	s11 =	sadd.s32 $0x1, s11;
	[tilespmem:s9+$0x4240] =	vst.add.f32.msk $0xffff, v8  }
0x1f4: {  	p1 =	sne.s32 s11, $0x4;
	[tilespmem:s9+$0x4040] =	vst.add.f32.msk $0xffff, v8  }
.Ltmp5:
0x1f5: {  	[tilespmem:s9+$0x240] =	vst.add.f32.msk $0xffff, v8;
	(pc) =	sbr.rel @p1 .LBB2_7-.Ltmp5, $4  }
0x1f6: {  	[tilespmem:s9+$0x40] =	vst.add.f32.msk $0xffff, v8  }
0x1f7: {  	[tilespmem:s9+$0x4230] =	vst.add.f32.msk $0xffff, v7  }
0x1f8: {  	[tilespmem:s9+$0x230] =	vst.add.f32.msk $0xffff, v7  }
0x1f9: {  	s2 =	sadd.s32 $0x80, s2;
	s18 =	sadd.s32 $0x80, s18;
	[tilespmem:s9+$0x30] =	vst.add.f32.msk $0xffff, v7  }
0x1fa: {  	s2 =	sshll.u32 s10, $0x2  }
0x1fb: {  	s9 =	sadd.s32 s7, s2  }
0x1fc: {  	s9 =	sshll.u32 s9, $0xC  }
0x1fd: {  	s9 =	sand.u32 $0x7FFF8000, s9  }
0x1fe: {  	s9 =	sor.u32 s5, s9  }
0x1ff: {  	s9 =	sshrl.u32 s9, $0x3  }
0x200: {  	s17 =	simm.s32 $0xC200;
	s9 =	sadd.s32 s9, s16  }
0x201: {  	[hbm4b:s9+s4] =	stream.linear.scatter [tilespmem:s17], [sflag:$0x7], $0x200, $0x38;
	[tilespmem:$0x14200] =	vst v63  }
0x202: {  	s11 =	simm.s32 $0xC600;
	s21 =	sadd.s32 $0x80, s9  }
0x203: {  	[hbm4b:s21+s4] =	stream.linear.scatter [tilespmem:s11], [sflag:$0x7], $0x200, $0x38;
	[tilespmem:$0x14200] =	vst v63  }
0x204: {  	s19 =	simm.s32 $0xCA00;
	s11 =	sadd.s32 $0x100, s9  }
0x205: {  	[hbm4b:s11+s4] =	stream.linear.scatter [tilespmem:s19], [sflag:$0x7], $0x200, $0x38;
	[tilespmem:$0x14200] =	vst v63  }
0x206: {  	s18 =	sadd.s32 $0x180, s9;
	s21 =	simm.s32 $0xCE00  }
0x207: {  	[hbm4b:s18+s4] =	stream.linear.scatter [tilespmem:s21], [sflag:$0x7], $0x200, $0x38;
	[tilespmem:$0x14200] =	vst v63  }
0x208: {  	s18 =	sadd.s32 $0x200, s9;
	s21 =	simm.s32 $0xD200  }
0x209: {  	[hbm4b:s18+s4] =	stream.linear.scatter [tilespmem:s21], [sflag:$0x7], $0x200, $0x38;
	[tilespmem:$0x14200] =	vst v63  }
0x20a: {  	s11 =	sadd.s32 $0x280, s9;
	s18 =	simm.s32 $0xD600  }
0x20b: {  	[hbm4b:s11+s4] =	stream.linear.scatter [tilespmem:s18], [sflag:$0x7], $0x200, $0x38;
	[tilespmem:$0x14200] =	vst v63  }
0x20c: {  	s18 =	sadd.s32 $0x300, s9  }
0x20d: {  	[hbm4b:s18+s4] =	stream.linear.scatter [tilespmem:s22], [sflag:$0x7], $0x200, $0x38;
	[tilespmem:$0x14200] =	vst v63  }
0x20e: {  	s11 =	sadd.s32 $0x380, s9;
	s18 =	simm.s32 $0xDE00  }
0x20f: {  	[hbm4b:s11+s4] =	stream.linear.scatter [tilespmem:s18], [sflag:$0x7], $0x200, $0x38;
	[tilespmem:$0x14200] =	vst v63  }
0x210: {  	s11 =	sadd.s32 $0x400, s9;
	s18 =	simm.s32 $0xE200  }
0x211: {  	[hbm4b:s11+s4] =	stream.linear.scatter [tilespmem:s18], [sflag:$0x7], $0x200, $0x38;
	[tilespmem:$0x14200] =	vst v63  }
0x212: {  	s11 =	sadd.s32 $0x480, s9;
	s18 =	simm.s32 $0xE600  }
0x213: {  	[hbm4b:s11+s4] =	stream.linear.scatter [tilespmem:s18], [sflag:$0x7], $0x200, $0x38;
	[tilespmem:$0x14200] =	vst v63  }
0x214: {  	s11 =	sadd.s32 $0x500, s9;
	s18 =	simm.s32 $0xEA00  }
0x215: {  	[hbm4b:s11+s4] =	stream.linear.scatter [tilespmem:s18], [sflag:$0x7], $0x200, $0x38;
	[tilespmem:$0x14200] =	vst v63  }
0x216: {  	s11 =	sadd.s32 $0x580, s9;
	s18 =	simm.s32 $0xEE00  }
0x217: {  	[hbm4b:s11+s4] =	stream.linear.scatter [tilespmem:s18], [sflag:$0x7], $0x200, $0x38;
	[tilespmem:$0x14200] =	vst v63  }
0x218: {  	s11 =	sadd.s32 $0x600, s9;
	s18 =	simm.s32 $0xF200  }
0x219: {  	[hbm4b:s11+s4] =	stream.linear.scatter [tilespmem:s18], [sflag:$0x7], $0x200, $0x38;
	[tilespmem:$0x14200] =	vst v63  }
0x21a: {  	s11 =	sadd.s32 $0x680, s9;
	s18 =	simm.s32 $0xF600  }
0x21b: {  	[hbm4b:s11+s4] =	stream.linear.scatter [tilespmem:s18], [sflag:$0x7], $0x200, $0x38;
	[tilespmem:$0x14200] =	vst v63  }
0x21c: {  	s11 =	sadd.s32 $0x700, s9;
	s18 =	simm.s32 $0xFA00  }
0x21d: {  	[hbm4b:s11+s4] =	stream.linear.scatter [tilespmem:s18], [sflag:$0x7], $0x200, $0x38;
	[tilespmem:$0x14200] =	vst v63  }
0x21e: {  	s9 =	sadd.s32 $0x780, s9;
	s18 =	simm.s32 $0xFE00;
	s11 =	sadd.s32 s13, s2  }
0x21f: {  	[hbm4b:s9+s4] =	stream.linear.scatter [tilespmem:s18], [sflag:$0x7], $0x200, $0x38;
	[tilespmem:$0x14200] =	vst v63  }
0x220: {  	s9 =	sshll.u32 s11, $0xC  }
0x221: {  	s9 =	sand.u32 $0xFFFF8000, s9  }
0x222: {  	s9 =	sor.u32 s5, s9  }
0x223: {  	s9 =	sshrl.u32 s9, $0x3  }
0x224: {  	s18 =	simm.s32 $0xC400;
	s9 =	sadd.s32 s9, s16  }
0x225: {  	[hbm4b:s9+s4] =	stream.linear.scatter [tilespmem:s18], [sflag:$0x8], $0x200, $0x38;
	[tilespmem:$0x14200] =	vst v63  }
0x226: {  	s11 =	sadd.s32 $0x80, s9;
	s18 =	simm.s32 $0xC800  }
0x227: {  	[hbm4b:s11+s4] =	stream.linear.scatter [tilespmem:s18], [sflag:$0x8], $0x200, $0x38;
	[tilespmem:$0x14200] =	vst v63  }
0x228: {  	s11 =	sadd.s32 $0x100, s9;
	s18 =	simm.s32 $0xCC00  }
0x229: {  	[hbm4b:s11+s4] =	stream.linear.scatter [tilespmem:s18], [sflag:$0x8], $0x200, $0x38;
	[tilespmem:$0x14200] =	vst v63  }
0x22a: {  	s11 =	sadd.s32 $0x180, s9;
	s18 =	simm.s32 $0xD000  }
0x22b: {  	[hbm4b:s11+s4] =	stream.linear.scatter [tilespmem:s18], [sflag:$0x8], $0x200, $0x38;
	[tilespmem:$0x14200] =	vst v63  }
0x22c: {  	s11 =	sadd.s32 $0x200, s9;
	s18 =	simm.s32 $0xD400  }
0x22d: {  	[hbm4b:s11+s4] =	stream.linear.scatter [tilespmem:s18], [sflag:$0x8], $0x200, $0x38;
	[tilespmem:$0x14200] =	vst v63  }
0x22e: {  	s11 =	sadd.s32 $0x280, s9;
	s18 =	simm.s32 $0xD800  }
0x22f: {  	[hbm4b:s11+s4] =	stream.linear.scatter [tilespmem:s18], [sflag:$0x8], $0x200, $0x38;
	[tilespmem:$0x14200] =	vst v63  }
0x230: {  	s11 =	sadd.s32 $0x300, s9;
	s18 =	simm.s32 $0xDC00  }
0x231: {  	[hbm4b:s11+s4] =	stream.linear.scatter [tilespmem:s18], [sflag:$0x8], $0x200, $0x38;
	[tilespmem:$0x14200] =	vst v63  }
0x232: {  	s11 =	sadd.s32 $0x380, s9;
	s18 =	simm.s32 $0xE000  }
0x233: {  	[hbm4b:s11+s4] =	stream.linear.scatter [tilespmem:s18], [sflag:$0x8], $0x200, $0x38;
	[tilespmem:$0x14200] =	vst v63  }
0x234: {  	s11 =	sadd.s32 $0x400, s9;
	s18 =	simm.s32 $0xE400  }
0x235: {  	[hbm4b:s11+s4] =	stream.linear.scatter [tilespmem:s18], [sflag:$0x8], $0x200, $0x38;
	[tilespmem:$0x14200] =	vst v63  }
0x236: {  	s11 =	sadd.s32 $0x480, s9;
	s18 =	simm.s32 $0xE800  }
0x237: {  	[hbm4b:s11+s4] =	stream.linear.scatter [tilespmem:s18], [sflag:$0x8], $0x200, $0x38;
	[tilespmem:$0x14200] =	vst v63  }
0x238: {  	s11 =	sadd.s32 $0x500, s9;
	s18 =	simm.s32 $0xEC00  }
0x239: {  	[hbm4b:s11+s4] =	stream.linear.scatter [tilespmem:s18], [sflag:$0x8], $0x200, $0x38;
	[tilespmem:$0x14200] =	vst v63  }
0x23a: {  	s11 =	sadd.s32 $0x580, s9;
	s18 =	simm.s32 $0xF000  }
0x23b: {  	[hbm4b:s11+s4] =	stream.linear.scatter [tilespmem:s18], [sflag:$0x8], $0x200, $0x38;
	[tilespmem:$0x14200] =	vst v63  }
0x23c: {  	s11 =	sadd.s32 $0x600, s9;
	s18 =	simm.s32 $0xF400  }
0x23d: {  	[hbm4b:s11+s4] =	stream.linear.scatter [tilespmem:s18], [sflag:$0x8], $0x200, $0x38;
	[tilespmem:$0x14200] =	vst v63  }
0x23e: {  	s11 =	sadd.s32 $0x680, s9;
	s18 =	simm.s32 $0xF800  }
0x23f: {  	[hbm4b:s11+s4] =	stream.linear.scatter [tilespmem:s18], [sflag:$0x8], $0x200, $0x38;
	[tilespmem:$0x14200] =	vst v63  }
0x240: {  	s11 =	sadd.s32 $0x700, s9;
	s18 =	simm.s32 $0xFC00  }
0x241: {  	[hbm4b:s11+s4] =	stream.linear.scatter [tilespmem:s18], [sflag:$0x8], $0x200, $0x38;
	[tilespmem:$0x14200] =	vst v63  }
0x242: {  	s9 =	sadd.s32 $0x780, s9;
	s18 =	simm.s32 $0x10000;
	s11 =	sadd.s32 s14, s2  }
0x243: {  	[hbm4b:s9+s4] =	stream.linear.scatter [tilespmem:s18], [sflag:$0x8], $0x200, $0x38;
	[tilespmem:$0x14200] =	vst v63  }
0x244: {  	s9 =	sshll.u32 s11, $0xC  }
0x245: {  	s9 =	sand.u32 $0xFFFF8000, s9  }
0x246: {  	s9 =	sor.u32 s5, s9  }
0x247: {  	s9 =	sshrl.u32 s9, $0x3  }
0x248: {  	s18 =	simm.s32 $0x10200;
	s9 =	sadd.s32 s9, s16  }
0x249: {  	[hbm4b:s9+s4] =	stream.linear.scatter [tilespmem:s18], [sflag:$0x9], $0x200, $0x38;
	[tilespmem:$0x14200] =	vst v63  }
0x24a: {  	s11 =	sadd.s32 $0x80, s9;
	s18 =	simm.s32 $0x10600  }
0x24b: {  	[hbm4b:s11+s4] =	stream.linear.scatter [tilespmem:s18], [sflag:$0x9], $0x200, $0x38;
	[tilespmem:$0x14200] =	vst v63  }
0x24c: {  	s11 =	sadd.s32 $0x100, s9;
	s18 =	simm.s32 $0x10A00  }
0x24d: {  	[hbm4b:s11+s4] =	stream.linear.scatter [tilespmem:s18], [sflag:$0x9], $0x200, $0x38;
	[tilespmem:$0x14200] =	vst v63  }
0x24e: {  	s11 =	sadd.s32 $0x180, s9;
	s18 =	simm.s32 $0x10E00  }
0x24f: {  	[hbm4b:s11+s4] =	stream.linear.scatter [tilespmem:s18], [sflag:$0x9], $0x200, $0x38;
	[tilespmem:$0x14200] =	vst v63  }
0x250: {  	s11 =	sadd.s32 $0x200, s9;
	s18 =	simm.s32 $0x11200  }
0x251: {  	[hbm4b:s11+s4] =	stream.linear.scatter [tilespmem:s18], [sflag:$0x9], $0x200, $0x38;
	[tilespmem:$0x14200] =	vst v63  }
0x252: {  	s11 =	sadd.s32 $0x280, s9;
	s18 =	simm.s32 $0x11600  }
0x253: {  	[hbm4b:s11+s4] =	stream.linear.scatter [tilespmem:s18], [sflag:$0x9], $0x200, $0x38;
	[tilespmem:$0x14200] =	vst v63  }
0x254: {  	s11 =	sadd.s32 $0x300, s9;
	s18 =	simm.s32 $0x11A00  }
0x255: {  	[hbm4b:s11+s4] =	stream.linear.scatter [tilespmem:s18], [sflag:$0x9], $0x200, $0x38;
	[tilespmem:$0x14200] =	vst v63  }
0x256: {  	s11 =	sadd.s32 $0x380, s9;
	s18 =	simm.s32 $0x11E00  }
0x257: {  	[hbm4b:s11+s4] =	stream.linear.scatter [tilespmem:s18], [sflag:$0x9], $0x200, $0x38;
	[tilespmem:$0x14200] =	vst v63  }
0x258: {  	s11 =	sadd.s32 $0x400, s9;
	s18 =	simm.s32 $0x12200  }
0x259: {  	[hbm4b:s11+s4] =	stream.linear.scatter [tilespmem:s18], [sflag:$0x9], $0x200, $0x38;
	[tilespmem:$0x14200] =	vst v63  }
0x25a: {  	s11 =	sadd.s32 $0x480, s9;
	s18 =	simm.s32 $0x12600  }
0x25b: {  	[hbm4b:s11+s4] =	stream.linear.scatter [tilespmem:s18], [sflag:$0x9], $0x200, $0x38;
	[tilespmem:$0x14200] =	vst v63  }
0x25c: {  	s11 =	sadd.s32 $0x500, s9;
	s18 =	simm.s32 $0x12A00  }
0x25d: {  	[hbm4b:s11+s4] =	stream.linear.scatter [tilespmem:s18], [sflag:$0x9], $0x200, $0x38;
	[tilespmem:$0x14200] =	vst v63  }
0x25e: {  	s2 =	sadd.s32 s15, s2;
	s11 =	sadd.s32 $0x580, s9;
	s18 =	simm.s32 $0x12E00  }
0x25f: {  	[hbm4b:s11+s4] =	stream.linear.scatter [tilespmem:s18], [sflag:$0x9], $0x200, $0x38;
	[tilespmem:$0x14200] =	vst v63  }
0x260: {  	s2 =	sshll.u32 s2, $0xC;
	s11 =	sadd.s32 $0x600, s9;
	s18 =	simm.s32 $0x13200  }
0x261: {  	[hbm4b:s11+s4] =	stream.linear.scatter [tilespmem:s18], [sflag:$0x9], $0x200, $0x38;
	[tilespmem:$0x14200] =	vst v63  }
0x262: {  	s2 =	sand.u32 $0xFFFF8000, s2;
	s11 =	sadd.s32 $0x680, s9;
	s18 =	simm.s32 $0x13600  }
0x263: {  	[hbm4b:s11+s4] =	stream.linear.scatter [tilespmem:s18], [sflag:$0x9], $0x200, $0x38;
	[tilespmem:$0x14200] =	vst v63  }
0x264: {  	s2 =	sor.u32 s5, s2;
	s11 =	sadd.s32 $0x700, s9;
	s18 =	simm.s32 $0x13A00  }
0x265: {  	[hbm4b:s11+s4] =	stream.linear.scatter [tilespmem:s18], [sflag:$0x9], $0x200, $0x38;
	[tilespmem:$0x14200] =	vst v63  }
0x266: {  	s2 =	sshrl.u32 s2, $0x3;
	s9 =	sadd.s32 $0x780, s9;
	s18 =	simm.s32 $0x13E00  }
0x267: {  	[hbm4b:s9+s4] =	stream.linear.scatter [tilespmem:s18], [sflag:$0x9], $0x200, $0x38;
	[tilespmem:$0x14200] =	vst v63  }
0x268: {  	s10 =	simm.s32 $0x10400;
	s2 =	sadd.s32 s2, s16  }
0x269: {  	[hbm4b:s2+s4] =	stream.linear.scatter [tilespmem:s10], [sflag:$0xA], $0x200, $0x38;
	[tilespmem:$0x14200] =	vst v63  }
0x26a: {  	s11 =	sadd.s32 $0x80, s2;
	s18 =	simm.s32 $0x10800  }
0x26b: {  	[hbm4b:s11+s4] =	stream.linear.scatter [tilespmem:s18], [sflag:$0xA], $0x200, $0x38;
	[tilespmem:$0x14200] =	vst v63  }
0x26c: {  	s11 =	sadd.s32 $0x100, s2;
	s18 =	simm.s32 $0x10C00  }
0x26d: {  	[hbm4b:s11+s4] =	stream.linear.scatter [tilespmem:s18], [sflag:$0xA], $0x200, $0x38;
	[tilespmem:$0x14200] =	vst v63  }
0x26e: {  	s11 =	sadd.s32 $0x180, s2;
	s18 =	simm.s32 $0x11000  }
0x26f: {  	[hbm4b:s11+s4] =	stream.linear.scatter [tilespmem:s18], [sflag:$0xA], $0x200, $0x38;
	[tilespmem:$0x14200] =	vst v63  }
0x270: {  	s11 =	sadd.s32 $0x200, s2;
	s18 =	simm.s32 $0x11400  }
0x271: {  	[hbm4b:s11+s4] =	stream.linear.scatter [tilespmem:s18], [sflag:$0xA], $0x200, $0x38;
	[tilespmem:$0x14200] =	vst v63  }
0x272: {  	s11 =	sadd.s32 $0x280, s2;
	s18 =	simm.s32 $0x11800  }
0x273: {  	[hbm4b:s11+s4] =	stream.linear.scatter [tilespmem:s18], [sflag:$0xA], $0x200, $0x38;
	[tilespmem:$0x14200] =	vst v63  }
0x274: {  	s11 =	sadd.s32 $0x300, s2;
	s18 =	simm.s32 $0x11C00  }
0x275: {  	[hbm4b:s11+s4] =	stream.linear.scatter [tilespmem:s18], [sflag:$0xA], $0x200, $0x38;
	[tilespmem:$0x14200] =	vst v63  }
0x276: {  	s11 =	sadd.s32 $0x380, s2;
	s18 =	simm.s32 $0x12000  }
0x277: {  	[hbm4b:s11+s4] =	stream.linear.scatter [tilespmem:s18], [sflag:$0xA], $0x200, $0x38;
	[tilespmem:$0x14200] =	vst v63  }
0x278: {  	s11 =	sadd.s32 $0x400, s2;
	s18 =	simm.s32 $0x12400  }
0x279: {  	[hbm4b:s11+s4] =	stream.linear.scatter [tilespmem:s18], [sflag:$0xA], $0x200, $0x38;
	[tilespmem:$0x14200] =	vst v63  }
0x27a: {  	s11 =	sadd.s32 $0x480, s2;
	s18 =	simm.s32 $0x12800  }
0x27b: {  	[hbm4b:s11+s4] =	stream.linear.scatter [tilespmem:s18], [sflag:$0xA], $0x200, $0x38;
	[tilespmem:$0x14200] =	vst v63  }
0x27c: {  	s11 =	sadd.s32 $0x500, s2;
	s18 =	simm.s32 $0x12C00  }
0x27d: {  	[hbm4b:s11+s4] =	stream.linear.scatter [tilespmem:s18], [sflag:$0xA], $0x200, $0x38;
	[tilespmem:$0x14200] =	vst v63  }
0x27e: {  	s11 =	sadd.s32 $0x580, s2;
	s18 =	simm.s32 $0x13000  }
0x27f: {  	[hbm4b:s11+s4] =	stream.linear.scatter [tilespmem:s18], [sflag:$0xA], $0x200, $0x38;
	[tilespmem:$0x14200] =	vst v63  }
0x280: {  	s11 =	sadd.s32 $0x600, s2;
	s18 =	simm.s32 $0x13400  }
0x281: {  	[hbm4b:s11+s4] =	stream.linear.scatter [tilespmem:s18], [sflag:$0xA], $0x200, $0x38;
	[tilespmem:$0x14200] =	vst v63  }
0x282: {  	s11 =	sadd.s32 $0x680, s2;
	s18 =	simm.s32 $0x13800  }
0x283: {  	[hbm4b:s11+s4] =	stream.linear.scatter [tilespmem:s18], [sflag:$0xA], $0x200, $0x38;
	[tilespmem:$0x14200] =	vst v63  }
.Ltmp6:
0x284: {  	_ = 	snop;
	(pc) =	sbr.rel @p0 .LBB2_12-.Ltmp6, $4  }
0x285: {  	s10 =	sadd.s32 $0x700, s2;
	s11 =	simm.s32 $0x13C00  }
0x286: {  	[hbm4b:s10+s4] =	stream.linear.scatter [tilespmem:s11], [sflag:$0xA], $0x200, $0x38;
	[tilespmem:$0x14200] =	vst v63  }
0x287: {  	s2 =	sadd.s32 $0x780, s2;
	s18 =	simm.s32 $0x14000  }
0x288: {  	[hbm4b:s2+s4] =	stream.linear.scatter [tilespmem:s18], [sflag:$0xA], $0x200, $0x38;
	[tilespmem:$0x14200] =	vst v63  }
.Ltmp7:
0x289: {  	s2 =	sshll.u32 s8, $0xF;
	s9 =	rddreg [dreg:$0xa];
	(pc) =	sbr.rel .LBB2_2-.Ltmp7, $4  }
0x28a: {  	s11 =	rddreg [dreg:$0x7];
	s2 =	sadd.s32 s2, s9  }
0x28b: {  	s18 =	simm.s32 $0x400;
	s10 =	simm.s32 $0x200;
	s2 =	sshrl.u32 s2, $0x3  }
0x28c: {  	s8 =	sadd.s32 $0x1, s8;
	s2 =	sadd.s32 s2, s11;
	s11 =	simm.s32 $0x2200  }
0x28d: {  	[tilespmem:s11], [sflag:$0xC] =	stream.strided.gather [hbm4b:s2+s10], $0x2000, s18, s10, $0x38;
	[tilespmem:$0x14200] =	vst v63  }
.LBB2_13:
0x28e: {  	_ =	sfence.sel $0x180000  }
0x28f: {  	[bflag:$0x0] =	sbarrier.arrive $0xFFFF  }
0x290: {  	_ =	strace $0x90000047  }
0x291: {  	s0 =	stileid.u32;
	[bflag:$0x2] =	sbarrier.arrive $0xFFFF  }
0x292: {  	p0 =	sne.s32 s0, $0x0;
	s0 =	rddreg [dreg:$0x4]  }
0x293: {  	s0 =	sadd.s32 @!p0 $0x100000, s0  }
0x294: {  	[sflag:s0] =	ssyncadd.tile.s32 @!p0 $0x1;
	_ =	shalt  }
.Lfunc_end2:
_tile_overlayer_lowered:
.L_overlay_start_2:
0x295: {  	(tag) =	ssettag $0x2  }
0x296: {  	s0 =	rddreg [dreg:$0x0];
	s2 =	stileid.u32  }
0x297: {  	s1 =	rddreg [dreg:$0x1];
	p0 =	sne.s32 s2, $0x0  }
0x298: {  	s3 =	rddreg [dreg:$0x2];
	[bflag:$0x3] =	sbarrier.arrive $0xFFFF;
	s2 =	simm.s32 @!p0 $0x1C0D  }
0x299: {  	[timem:s3], [sflag:s2] =	dma.local @!p0 [hbm:s0], s1  }
0x29a: {  	s0 =	simm.s32 @!p0 $0xD  }
0x29b: {  	_ =	swait.ge @!p0 [sflag:s0], s1  }
0x29c: {  	s1 =	ssub.s32 @!p0 $0x0, s1;
	[sflag:s0] =	ssyncset.done @!p0 $0x0  }
0x29d: {  	[sflag:s0] =	ssyncadd.s32 @!p0 s1  }
0x29e: {  	[bflag:$0x3] =	sbarrier.arrive $0xFFFF  }
0x29f: {  	_ =	shalt  }

</sc_bundles>
